<compile_context>
chip_gen: v7x
topology: tpu7x:2x2x1
jax: 0.10.2.dev20260603
libtpu: 0.0.44.dev20260713+nightly
codegen_flags: <defaults>
</compile_context>

<pallas_src>
import jax
import jax.numpy as jnp
from jax import lax
from jax.experimental import pallas as pl
from jax.experimental.pallas import tpu as pltpu
from jax.experimental.pallas import tpu_sc as plsc

N = 100000
SEG = 512
LANES = 16
NS = 16
NV_TOTAL = N // LANES
NV_LO = NV_TOTAL // NS
EXTRA = NV_TOTAL - NV_LO * NS
CHUNK_LO = NV_LO * LANES
CHUNK_HI = (NV_LO + 1) * LANES
ACC_W = 2 * SEG
ROW_STRIDE = ACC_W + 1
ACC_FLAT = 65 * 256


def _dice_body(pred_hbm, target_hbm, batch_hbm, out_hbm,
               pred_v, target_v, batch_v, acc, partial_v,
               stage_a, red_v, iv_v, dv_v, fin_v, out_v,
               shared, shared_red, shared2, sem_p, sem_t, sem_b):
    wid = lax.axis_index("s")
    has_extra = wid < EXTRA
    base = wid * CHUNK_LO + jnp.minimum(wid, EXTRA) * LANES
    nv = NV_LO + has_extra.astype(jnp.int32)

    @pl.when(has_extra)
    def _():
        pltpu.async_copy(pred_hbm.at[pl.ds(base, CHUNK_HI)], pred_v, sem_p)
        pltpu.async_copy(target_hbm.at[pl.ds(base, CHUNK_HI)], target_v, sem_t)
        pltpu.async_copy(batch_hbm.at[pl.ds(base, CHUNK_HI)], batch_v, sem_b)

    @pl.when(jnp.logical_not(has_extra))
    def _():
        pltpu.async_copy(pred_hbm.at[pl.ds(base, CHUNK_LO)],
                         pred_v.at[pl.ds(0, CHUNK_LO)], sem_p)
        pltpu.async_copy(target_hbm.at[pl.ds(base, CHUNK_LO)],
                         target_v.at[pl.ds(0, CHUNK_LO)], sem_t)
        pltpu.async_copy(batch_hbm.at[pl.ds(base, CHUNK_LO)],
                         batch_v.at[pl.ds(0, CHUNK_LO)], sem_b)

    zero = jnp.zeros((LANES,), jnp.float32)

    def zero_body(cb, carry):
        off = cb * (16 * LANES)
        for r in range(16):
            acc[pl.ds(off + r * LANES, LANES)] = zero
        return carry

    lax.fori_loop(0, ACC_FLAT // (16 * LANES), zero_body, 0)

    @pl.when(has_extra)
    def _():
        pltpu.make_async_copy(pred_hbm.at[pl.ds(base, CHUNK_HI)], pred_v, sem_p).wait()
        pltpu.make_async_copy(target_hbm.at[pl.ds(base, CHUNK_HI)], target_v, sem_t).wait()
        pltpu.make_async_copy(batch_hbm.at[pl.ds(base, CHUNK_HI)], batch_v, sem_b).wait()

    @pl.when(jnp.logical_not(has_extra))
    def _():
        pltpu.make_async_copy(pred_hbm.at[pl.ds(base, CHUNK_LO)],
                              pred_v.at[pl.ds(0, CHUNK_LO)], sem_p).wait()
        pltpu.make_async_copy(target_hbm.at[pl.ds(base, CHUNK_LO)],
                              target_v.at[pl.ds(0, CHUNK_LO)], sem_t).wait()
        pltpu.make_async_copy(batch_hbm.at[pl.ds(base, CHUNK_LO)],
                              batch_v.at[pl.ds(0, CHUNK_LO)], sem_b).wait()

    row_off = lax.iota(jnp.int32, LANES) * ROW_STRIDE

    def scat_one(off):
        p = pred_v[pl.ds(off, LANES)]
        t = target_v[pl.ds(off, LANES)]
        b = batch_v[pl.ds(off, LANES)]
        idx = row_off + b
        plsc.addupdate_scatter(acc, [idx], p * t)
        plsc.addupdate_scatter(acc, [idx + SEG], p + t)

    @plsc.parallel_loop(0, NV_LO * LANES, step=LANES, unroll=5)
    def _(off):
        scat_one(off)

    @pl.when(has_extra)
    def _():
        scat_one(NV_LO * LANES)

    @plsc.parallel_loop(0, ACC_W, step=LANES, unroll=2)
    def _(off):
        v = acc[pl.ds(off, LANES)]
        for r in range(1, LANES):
            v = v + acc[pl.ds(r * ROW_STRIDE + off, LANES)]
        partial_v[pl.ds(off, LANES)] = v

    pltpu.sync_copy(partial_v, shared.at[wid])
    plsc.subcore_barrier()

    @pl.when(wid < 8)
    def _():
        pltpu.sync_copy(shared.at[:, pl.ds(wid * 128, 128)], stage_a)
        for cb in range(128 // LANES):
            off = cb * LANES
            v = stage_a[0, pl.ds(off, LANES)]
            for r in range(1, LANES):
                v = v + stage_a[r, pl.ds(off, LANES)]
            red_v[pl.ds(off, LANES)] = v
        pltpu.sync_copy(red_v, shared_red.at[pl.ds(wid * 128, 128)])

    plsc.subcore_barrier()

    @pl.when(wid < 4)
    def _():
        pltpu.sync_copy(shared_red.at[pl.ds(wid * 128, 128)], iv_v)
        pltpu.sync_copy(shared_red.at[pl.ds(SEG + wid * 128, 128)], dv_v)
        dice_sum = jnp.zeros((LANES,), jnp.float32)
        for cb in range(128 // LANES):
            off = cb * LANES
            iv = iv_v[pl.ds(off, LANES)]
            dv = dv_v[pl.ds(off, LANES)]
            dice_sum = dice_sum + (2.0 * iv + 1.0) / (dv + 1.0)
        out_v[...] = dice_sum
        pltpu.sync_copy(out_v, shared2.at[pl.ds(wid * LANES, LANES)])

    plsc.subcore_barrier()

    @pl.when(wid == 0)
    def _():
        pltpu.sync_copy(shared2, fin_v)
        v = fin_v[pl.ds(0, LANES)]
        for k in range(1, 4):
            v = v + fin_v[pl.ds(k * LANES, LANES)]
        total = jnp.sum(v)
        out_v[...] = jnp.broadcast_to(float(SEG) - total, (LANES,))
        pltpu.sync_copy(out_v, out_hbm)


_dice_sc = pl.kernel(
    _dice_body,
    out_type=jax.ShapeDtypeStruct((LANES,), jnp.float32),
    mesh=plsc.VectorSubcoreMesh(core_axis_name="c", subcore_axis_name="s",
                                num_cores=1, num_subcores=NS),
    scratch_types=[
        pltpu.VMEM((CHUNK_HI,), jnp.float32),
        pltpu.VMEM((CHUNK_HI,), jnp.float32),
        pltpu.VMEM((CHUNK_HI,), jnp.int32),
        pltpu.VMEM((ACC_FLAT,), jnp.float32),
        pltpu.VMEM((ACC_W,), jnp.float32),
        pltpu.VMEM((LANES, 128), jnp.float32),
        pltpu.VMEM((128,), jnp.float32),
        pltpu.VMEM((128,), jnp.float32),
        pltpu.VMEM((128,), jnp.float32),
        pltpu.VMEM((4 * LANES,), jnp.float32),
        pltpu.VMEM((LANES,), jnp.float32),
        pltpu.VMEM_SHARED((LANES, ACC_W), jnp.float32),
        pltpu.VMEM_SHARED((ACC_W,), jnp.float32),
        pltpu.VMEM_SHARED((4 * LANES,), jnp.float32),
        pltpu.SemaphoreType.DMA,
        pltpu.SemaphoreType.DMA,
        pltpu.SemaphoreType.DMA,
    ],
    compiler_params=pltpu.CompilerParams(needs_layout_passes=False),
)


def kernel(pred, target, batch):
    return _dice_sc(pred, target, batch.astype(jnp.int32))[0]

# --- scband reference (transcript-rebuilt; emitter-appended) ---
"""Pipeline reference for scband-dice-loss-58600533786786 (READ-ONLY COPY).

The authoritative reference and input builder live on the scoring server;
editing this copy changes nothing except your own understanding.
"""

import jax, jax.numpy as jnp
import numpy as np

N = 100000
NUM_SEGMENTS = 512

def setup_inputs(seed: int = 0) -> dict:
    key = jax.random.key(seed)
    k1, k2, k3 = jax.random.split(key, 3)
    pred = jax.random.uniform(k1, (N,), dtype=jnp.float32)
    target = jax.random.uniform(k2, (N,), dtype=jnp.float32)
    batch = jnp.sort(jax.random.randint(k3, (N,), 0, NUM_SEGMENTS, dtype=jnp.int64))
    return {"pred": pred, "target": target, "batch": batch}

def reference(pred, target, batch):
    smooth = 1.0
    # scatter(x, batch, dim=0) with default 'add' reduction -> segment_sum
    intersection = jax.ops.segment_sum(pred * target, batch, num_segments=NUM_SEGMENTS)
    denom = (jax.ops.segment_sum(pred, batch, num_segments=NUM_SEGMENTS)
             + jax.ops.segment_sum(target, batch, num_segments=NUM_SEGMENTS)
             + smooth)
    dice = (2.0 * intersection + smooth) / denom
    return (1.0 - dice).sum()

if __name__ == "__main__":
    import jax
    _d = setup_inputs()
    print(jax.jit(kernel)(*tuple(_d.values())))

</pallas_src>

<mosaic_0001>
#map = affine_map<(d0, d1) -> (0)>
module attributes {stable_mosaic.version = 14 : i64} {
  func.func @_dice_body(%arg0: i32, %arg1: i32, %arg2: memref<100000xf32, #tpu.memory_space<hbm>>, %arg3: memref<100000xf32, #tpu.memory_space<hbm>>, %arg4: memref<100000xi32, #tpu.memory_space<hbm>>, %arg5: memref<16xf32, #tpu.memory_space<hbm>>, %arg6: memref<6256xf32, #tpu.memory_space<vmem>>, %arg7: memref<6256xf32, #tpu.memory_space<vmem>>, %arg8: memref<6256xi32, #tpu.memory_space<vmem>>, %arg9: memref<16640xf32, #tpu.memory_space<vmem>>, %arg10: memref<1024xf32, #tpu.memory_space<vmem>>, %arg11: memref<16x128xf32, #tpu.memory_space<vmem>>, %arg12: memref<128xf32, #tpu.memory_space<vmem>>, %arg13: memref<128xf32, #tpu.memory_space<vmem>>, %arg14: memref<128xf32, #tpu.memory_space<vmem>>, %arg15: memref<64xf32, #tpu.memory_space<vmem>>, %arg16: memref<16xf32, #tpu.memory_space<vmem>>, %arg17: memref<16x1024xf32, #tpu.memory_space<vmem_shared>>, %arg18: memref<1024xf32, #tpu.memory_space<vmem_shared>>, %arg19: memref<64xf32, #tpu.memory_space<vmem_shared>>, %arg20: memref<!tpu.dma_semaphore, #tpu.memory_space<semaphore_mem>>, %arg21: memref<!tpu.dma_semaphore, #tpu.memory_space<semaphore_mem>>, %arg22: memref<!tpu.dma_semaphore, #tpu.memory_space<semaphore_mem>>) attributes {dimension_semantics = [#tpu.dimension_semantics<core_parallel>, #tpu.dimension_semantics<subcore_parallel>], iteration_bounds = array<i64: 1, 16>, scalar_prefetch = 0 : i64, scratch_operands = 17 : i64, tpu.core_type = #tpu.core_type<sc_vector_subcore>, window_params = [{transform_indices = #map}, {transform_indices = #map}, {transform_indices = #map}, {transform_indices = #map}]} {
    %lt3A = arith.constant 10 : i32
    %lt3A_0 = arith.cmpi slt, %arg1, %lt3A : i32
    %mul3A = arith.constant 6240 : i32
    %mul3A_1 = arith.muli %arg1, %mul3A : i32
    %min3A = arith.constant 10 : i32
    %min3A_2 = arith.minsi %arg1, %min3A : i32
    %mul3A_3 = arith.constant 16 : i32
    %mul3A_4 = arith.muli %min3A_2, %mul3A_3 : i32
    %add3A = arith.addi %mul3A_1, %mul3A_4 : i32
    %convert_element_type3A = arith.extui %lt3A_0 : i1 to i32
    %add3A_5 = arith.constant 390 : i32
    %add3A_6 = arith.addi %add3A_5, %convert_element_type3A : i32
    %convert_element_type3A_7 = arith.extui %lt3A_0 : i1 to i32
    %cond3A = arith.constant 0 : i32
    %cond3A_8 = arith.cmpi ne, %convert_element_type3A_7, %cond3A : i32
    scf.if %cond3A_8 {
      %dma_start3A = tpu.memref_slice %arg2[%add3A] : memref<100000xf32, #tpu.memory_space<hbm>> -> memref<6256xf32, #tpu.memory_space<hbm>>
      %dma_start3A_54 = tpu.memref_slice %arg2[%add3A] : memref<100000xf32, #tpu.memory_space<hbm>> -> memref<6256xf32, #tpu.memory_space<hbm>>
      tpu.enqueue_dma source(%dma_start3A_54 : memref<6256xf32, #tpu.memory_space<hbm>>) target(%arg6 : memref<6256xf32, #tpu.memory_space<vmem>>) target_semaphore(%arg20 : memref<!tpu.dma_semaphore, #tpu.memory_space<semaphore_mem>>)
      %dma_start3A_55 = tpu.memref_slice %arg3[%add3A] : memref<100000xf32, #tpu.memory_space<hbm>> -> memref<6256xf32, #tpu.memory_space<hbm>>
      %dma_start3A_56 = tpu.memref_slice %arg3[%add3A] : memref<100000xf32, #tpu.memory_space<hbm>> -> memref<6256xf32, #tpu.memory_space<hbm>>
      tpu.enqueue_dma source(%dma_start3A_56 : memref<6256xf32, #tpu.memory_space<hbm>>) target(%arg7 : memref<6256xf32, #tpu.memory_space<vmem>>) target_semaphore(%arg21 : memref<!tpu.dma_semaphore, #tpu.memory_space<semaphore_mem>>)
      %dma_start3A_57 = tpu.memref_slice %arg4[%add3A] : memref<100000xi32, #tpu.memory_space<hbm>> -> memref<6256xi32, #tpu.memory_space<hbm>>
      %dma_start3A_58 = tpu.memref_slice %arg4[%add3A] : memref<100000xi32, #tpu.memory_space<hbm>> -> memref<6256xi32, #tpu.memory_space<hbm>>
      tpu.enqueue_dma source(%dma_start3A_58 : memref<6256xi32, #tpu.memory_space<hbm>>) target(%arg8 : memref<6256xi32, #tpu.memory_space<vmem>>) target_semaphore(%arg22 : memref<!tpu.dma_semaphore, #tpu.memory_space<semaphore_mem>>)
    } else {
    }
    %not3A = arith.constant true
    %not3A_9 = arith.xori %lt3A_0, %not3A : i1
    %convert_element_type3A_10 = arith.extui %not3A_9 : i1 to i32
    %cond3A_11 = arith.constant 0 : i32
    %cond3A_12 = arith.cmpi ne, %convert_element_type3A_10, %cond3A_11 : i32
    scf.if %cond3A_12 {
      %dma_start3A = arith.constant 0 : i32
      %dma_start3A_54 = tpu.memref_slice %arg6[%dma_start3A] : memref<6256xf32, #tpu.memory_space<vmem>> -> memref<6240xf32, #tpu.memory_space<vmem>>
      %dma_start3A_55 = tpu.memref_slice %arg2[%add3A] : memref<100000xf32, #tpu.memory_space<hbm>> -> memref<6240xf32, #tpu.memory_space<hbm>>
      %dma_start3A_56 = arith.constant 0 : i32
      %dma_start3A_57 = tpu.memref_slice %arg6[%dma_start3A_56] : memref<6256xf32, #tpu.memory_space<vmem>> -> memref<6240xf32, #tpu.memory_space<vmem>>
      %dma_start3A_58 = tpu.memref_slice %arg2[%add3A] : memref<100000xf32, #tpu.memory_space<hbm>> -> memref<6240xf32, #tpu.memory_space<hbm>>
      tpu.enqueue_dma source(%dma_start3A_58 : memref<6240xf32, #tpu.memory_space<hbm>>) target(%dma_start3A_57 : memref<6240xf32, #tpu.memory_space<vmem>>) target_semaphore(%arg20 : memref<!tpu.dma_semaphore, #tpu.memory_space<semaphore_mem>>)
      %dma_start3A_59 = arith.constant 0 : i32
      %dma_start3A_60 = tpu.memref_slice %arg7[%dma_start3A_59] : memref<6256xf32, #tpu.memory_space<vmem>> -> memref<6240xf32, #tpu.memory_space<vmem>>
      %dma_start3A_61 = tpu.memref_slice %arg3[%add3A] : memref<100000xf32, #tpu.memory_space<hbm>> -> memref<6240xf32, #tpu.memory_space<hbm>>
      %dma_start3A_62 = arith.constant 0 : i32
      %dma_start3A_63 = tpu.memref_slice %arg7[%dma_start3A_62] : memref<6256xf32, #tpu.memory_space<vmem>> -> memref<6240xf32, #tpu.memory_space<vmem>>
      %dma_start3A_64 = tpu.memref_slice %arg3[%add3A] : memref<100000xf32, #tpu.memory_space<hbm>> -> memref<6240xf32, #tpu.memory_space<hbm>>
      tpu.enqueue_dma source(%dma_start3A_64 : memref<6240xf32, #tpu.memory_space<hbm>>) target(%dma_start3A_63 : memref<6240xf32, #tpu.memory_space<vmem>>) target_semaphore(%arg21 : memref<!tpu.dma_semaphore, #tpu.memory_space<semaphore_mem>>)
      %dma_start3A_65 = arith.constant 0 : i32
      %dma_start3A_66 = tpu.memref_slice %arg8[%dma_start3A_65] : memref<6256xi32, #tpu.memory_space<vmem>> -> memref<6240xi32, #tpu.memory_space<vmem>>
      %dma_start3A_67 = tpu.memref_slice %arg4[%add3A] : memref<100000xi32, #tpu.memory_space<hbm>> -> memref<6240xi32, #tpu.memory_space<hbm>>
      %dma_start3A_68 = arith.constant 0 : i32
      %dma_start3A_69 = tpu.memref_slice %arg8[%dma_start3A_68] : memref<6256xi32, #tpu.memory_space<vmem>> -> memref<6240xi32, #tpu.memory_space<vmem>>
      %dma_start3A_70 = tpu.memref_slice %arg4[%add3A] : memref<100000xi32, #tpu.memory_space<hbm>> -> memref<6240xi32, #tpu.memory_space<hbm>>
      tpu.enqueue_dma source(%dma_start3A_70 : memref<6240xi32, #tpu.memory_space<hbm>>) target(%dma_start3A_69 : memref<6240xi32, #tpu.memory_space<vmem>>) target_semaphore(%arg22 : memref<!tpu.dma_semaphore, #tpu.memory_space<semaphore_mem>>)
    } else {
    }
    %broadcast_in_dim3A = arith.constant 0.000000e+00 : f32
    %broadcast_in_dim3A_13 = vector.broadcast %broadcast_in_dim3A : f32 to vector<16xf32>
    %scan3A = arith.constant 0 : i32
    %scan3A_14 = arith.constant 0 : i32
    %scan3A_15 = arith.constant 65 : i32
    %scan3A_16 = arith.addi %scan3A_14, %scan3A_15 : i32
    %scan3A_17 = arith.constant 1 : i32
    scf.for %scan3A_54 = %scan3A_14 to %scan3A_16 step %scan3A_17  : i32 {
      %mul3A_55 = arith.constant 256 : i32
      %mul3A_56 = arith.muli %scan3A_54, %mul3A_55 : i32
      %add3A_57 = arith.constant 0 : i32
      %add3A_58 = arith.addi %mul3A_56, %add3A_57 : i32
      %swap3A = arith.index_cast %add3A_58 : i32 to index
      %swap3A_59 = tpu.vector_load %arg9[%swap3A] {strides = array<i32>} : memref<16640xf32, #tpu.memory_space<vmem>>, vector<16xf32>,
      tpu.vector_store %arg9[%swap3A], %broadcast_in_dim3A_13 {strides = array<i32>} : memref<16640xf32, #tpu.memory_space<vmem>>, vector<16xf32>,
      %add3A_60 = arith.constant 16 : i32
      %add3A_61 = arith.addi %mul3A_56, %add3A_60 : i32
      %swap3A_62 = arith.index_cast %add3A_61 : i32 to index
      %swap3A_63 = tpu.vector_load %arg9[%swap3A_62] {strides = array<i32>} : memref<16640xf32, #tpu.memory_space<vmem>>, vector<16xf32>,
      tpu.vector_store %arg9[%swap3A_62], %broadcast_in_dim3A_13 {strides = array<i32>} : memref<16640xf32, #tpu.memory_space<vmem>>, vector<16xf32>,
      %add3A_64 = arith.constant 32 : i32
      %add3A_65 = arith.addi %mul3A_56, %add3A_64 : i32
      %swap3A_66 = arith.index_cast %add3A_65 : i32 to index
      %swap3A_67 = tpu.vector_load %arg9[%swap3A_66] {strides = array<i32>} : memref<16640xf32, #tpu.memory_space<vmem>>, vector<16xf32>,
      tpu.vector_store %arg9[%swap3A_66], %broadcast_in_dim3A_13 {strides = array<i32>} : memref<16640xf32, #tpu.memory_space<vmem>>, vector<16xf32>,
      %add3A_68 = arith.constant 48 : i32
      %add3A_69 = arith.addi %mul3A_56, %add3A_68 : i32
      %swap3A_70 = arith.index_cast %add3A_69 : i32 to index
      %swap3A_71 = tpu.vector_load %arg9[%swap3A_70] {strides = array<i32>} : memref<16640xf32, #tpu.memory_space<vmem>>, vector<16xf32>,
      tpu.vector_store %arg9[%swap3A_70], %broadcast_in_dim3A_13 {strides = array<i32>} : memref<16640xf32, #tpu.memory_space<vmem>>, vector<16xf32>,
      %add3A_72 = arith.constant 64 : i32
      %add3A_73 = arith.addi %mul3A_56, %add3A_72 : i32
      %swap3A_74 = arith.index_cast %add3A_73 : i32 to index
      %swap3A_75 = tpu.vector_load %arg9[%swap3A_74] {strides = array<i32>} : memref<16640xf32, #tpu.memory_space<vmem>>, vector<16xf32>,
      tpu.vector_store %arg9[%swap3A_74], %broadcast_in_dim3A_13 {strides = array<i32>} : memref<16640xf32, #tpu.memory_space<vmem>>, vector<16xf32>,
      %add3A_76 = arith.constant 80 : i32
      %add3A_77 = arith.addi %mul3A_56, %add3A_76 : i32
      %swap3A_78 = arith.index_cast %add3A_77 : i32 to index
      %swap3A_79 = tpu.vector_load %arg9[%swap3A_78] {strides = array<i32>} : memref<16640xf32, #tpu.memory_space<vmem>>, vector<16xf32>,
      tpu.vector_store %arg9[%swap3A_78], %broadcast_in_dim3A_13 {strides = array<i32>} : memref<16640xf32, #tpu.memory_space<vmem>>, vector<16xf32>,
      %add3A_80 = arith.constant 96 : i32
      %add3A_81 = arith.addi %mul3A_56, %add3A_80 : i32
      %swap3A_82 = arith.index_cast %add3A_81 : i32 to index
      %swap3A_83 = tpu.vector_load %arg9[%swap3A_82] {strides = array<i32>} : memref<16640xf32, #tpu.memory_space<vmem>>, vector<16xf32>,
      tpu.vector_store %arg9[%swap3A_82], %broadcast_in_dim3A_13 {strides = array<i32>} : memref<16640xf32, #tpu.memory_space<vmem>>, vector<16xf32>,
      %add3A_84 = arith.constant 112 : i32
      %add3A_85 = arith.addi %mul3A_56, %add3A_84 : i32
      %swap3A_86 = arith.index_cast %add3A_85 : i32 to index
      %swap3A_87 = tpu.vector_load %arg9[%swap3A_86] {strides = array<i32>} : memref<16640xf32, #tpu.memory_space<vmem>>, vector<16xf32>,
      tpu.vector_store %arg9[%swap3A_86], %broadcast_in_dim3A_13 {strides = array<i32>} : memref<16640xf32, #tpu.memory_space<vmem>>, vector<16xf32>,
      %add3A_88 = arith.constant 128 : i32
      %add3A_89 = arith.addi %mul3A_56, %add3A_88 : i32
      %swap3A_90 = arith.index_cast %add3A_89 : i32 to index
      %swap3A_91 = tpu.vector_load %arg9[%swap3A_90] {strides = array<i32>} : memref<16640xf32, #tpu.memory_space<vmem>>, vector<16xf32>,
      tpu.vector_store %arg9[%swap3A_90], %broadcast_in_dim3A_13 {strides = array<i32>} : memref<16640xf32, #tpu.memory_space<vmem>>, vector<16xf32>,
      %add3A_92 = arith.constant 144 : i32
      %add3A_93 = arith.addi %mul3A_56, %add3A_92 : i32
      %swap3A_94 = arith.index_cast %add3A_93 : i32 to index
      %swap3A_95 = tpu.vector_load %arg9[%swap3A_94] {strides = array<i32>} : memref<16640xf32, #tpu.memory_space<vmem>>, vector<16xf32>,
      tpu.vector_store %arg9[%swap3A_94], %broadcast_in_dim3A_13 {strides = array<i32>} : memref<16640xf32, #tpu.memory_space<vmem>>, vector<16xf32>,
      %add3A_96 = arith.constant 160 : i32
      %add3A_97 = arith.addi %mul3A_56, %add3A_96 : i32
      %swap3A_98 = arith.index_cast %add3A_97 : i32 to index
      %swap3A_99 = tpu.vector_load %arg9[%swap3A_98] {strides = array<i32>} : memref<16640xf32, #tpu.memory_space<vmem>>, vector<16xf32>,
      tpu.vector_store %arg9[%swap3A_98], %broadcast_in_dim3A_13 {strides = array<i32>} : memref<16640xf32, #tpu.memory_space<vmem>>, vector<16xf32>,
      %add3A_100 = arith.constant 176 : i32
      %add3A_101 = arith.addi %mul3A_56, %add3A_100 : i32
      %swap3A_102 = arith.index_cast %add3A_101 : i32 to index
      %swap3A_103 = tpu.vector_load %arg9[%swap3A_102] {strides = array<i32>} : memref<16640xf32, #tpu.memory_space<vmem>>, vector<16xf32>,
      tpu.vector_store %arg9[%swap3A_102], %broadcast_in_dim3A_13 {strides = array<i32>} : memref<16640xf32, #tpu.memory_space<vmem>>, vector<16xf32>,
      %add3A_104 = arith.constant 192 : i32
      %add3A_105 = arith.addi %mul3A_56, %add3A_104 : i32
      %swap3A_106 = arith.index_cast %add3A_105 : i32 to index
      %swap3A_107 = tpu.vector_load %arg9[%swap3A_106] {strides = array<i32>} : memref<16640xf32, #tpu.memory_space<vmem>>, vector<16xf32>,
      tpu.vector_store %arg9[%swap3A_106], %broadcast_in_dim3A_13 {strides = array<i32>} : memref<16640xf32, #tpu.memory_space<vmem>>, vector<16xf32>,
      %add3A_108 = arith.constant 208 : i32
      %add3A_109 = arith.addi %mul3A_56, %add3A_108 : i32
      %swap3A_110 = arith.index_cast %add3A_109 : i32 to index
      %swap3A_111 = tpu.vector_load %arg9[%swap3A_110] {strides = array<i32>} : memref<16640xf32, #tpu.memory_space<vmem>>, vector<16xf32>,
      tpu.vector_store %arg9[%swap3A_110], %broadcast_in_dim3A_13 {strides = array<i32>} : memref<16640xf32, #tpu.memory_space<vmem>>, vector<16xf32>,
      %add3A_112 = arith.constant 224 : i32
      %add3A_113 = arith.addi %mul3A_56, %add3A_112 : i32
      %swap3A_114 = arith.index_cast %add3A_113 : i32 to index
      %swap3A_115 = tpu.vector_load %arg9[%swap3A_114] {strides = array<i32>} : memref<16640xf32, #tpu.memory_space<vmem>>, vector<16xf32>,
      tpu.vector_store %arg9[%swap3A_114], %broadcast_in_dim3A_13 {strides = array<i32>} : memref<16640xf32, #tpu.memory_space<vmem>>, vector<16xf32>,
      %add3A_116 = arith.constant 240 : i32
      %add3A_117 = arith.addi %mul3A_56, %add3A_116 : i32
      %swap3A_118 = arith.index_cast %add3A_117 : i32 to index
      %swap3A_119 = tpu.vector_load %arg9[%swap3A_118] {strides = array<i32>} : memref<16640xf32, #tpu.memory_space<vmem>>, vector<16xf32>,
      tpu.vector_store %arg9[%swap3A_118], %broadcast_in_dim3A_13 {strides = array<i32>} : memref<16640xf32, #tpu.memory_space<vmem>>, vector<16xf32>,
    }
    %scan3A_18 = arith.constant 65 : i32
    %convert_element_type3A_19 = arith.extui %lt3A_0 : i1 to i32
    %cond3A_20 = arith.constant 0 : i32
    %cond3A_21 = arith.cmpi ne, %convert_element_type3A_19, %cond3A_20 : i32
    scf.if %cond3A_21 {
      %dma_wait3A = tpu.memref_slice %arg2[%add3A] : memref<100000xf32, #tpu.memory_space<hbm>> -> memref<6256xf32, #tpu.memory_space<hbm>>
      %dma_wait3A_54 = tpu.memref_slice %arg2[%add3A] : memref<100000xf32, #tpu.memory_space<hbm>> -> memref<6256xf32, #tpu.memory_space<hbm>>
      tpu.wait_dma2 semaphore(%arg20 : memref<!tpu.dma_semaphore, #tpu.memory_space<semaphore_mem>>) src(%dma_wait3A_54 : memref<6256xf32, #tpu.memory_space<hbm>>) dst(%arg6 : memref<6256xf32, #tpu.memory_space<vmem>>)
      %dma_wait3A_55 = tpu.memref_slice %arg3[%add3A] : memref<100000xf32, #tpu.memory_space<hbm>> -> memref<6256xf32, #tpu.memory_space<hbm>>
      %dma_wait3A_56 = tpu.memref_slice %arg3[%add3A] : memref<100000xf32, #tpu.memory_space<hbm>> -> memref<6256xf32, #tpu.memory_space<hbm>>
      tpu.wait_dma2 semaphore(%arg21 : memref<!tpu.dma_semaphore, #tpu.memory_space<semaphore_mem>>) src(%dma_wait3A_56 : memref<6256xf32, #tpu.memory_space<hbm>>) dst(%arg7 : memref<6256xf32, #tpu.memory_space<vmem>>)
      %dma_wait3A_57 = tpu.memref_slice %arg4[%add3A] : memref<100000xi32, #tpu.memory_space<hbm>> -> memref<6256xi32, #tpu.memory_space<hbm>>
      %dma_wait3A_58 = tpu.memref_slice %arg4[%add3A] : memref<100000xi32, #tpu.memory_space<hbm>> -> memref<6256xi32, #tpu.memory_space<hbm>>
      tpu.wait_dma2 semaphore(%arg22 : memref<!tpu.dma_semaphore, #tpu.memory_space<semaphore_mem>>) src(%dma_wait3A_58 : memref<6256xi32, #tpu.memory_space<hbm>>) dst(%arg8 : memref<6256xi32, #tpu.memory_space<vmem>>)
    } else {
    }
    %not3A_22 = arith.constant true
    %not3A_23 = arith.xori %lt3A_0, %not3A_22 : i1
    %convert_element_type3A_24 = arith.extui %not3A_23 : i1 to i32
    %cond3A_25 = arith.constant 0 : i32
    %cond3A_26 = arith.cmpi ne, %convert_element_type3A_24, %cond3A_25 : i32
    scf.if %cond3A_26 {
      %dma_wait3A = arith.constant 0 : i32
      %dma_wait3A_54 = tpu.memref_slice %arg6[%dma_wait3A] : memref<6256xf32, #tpu.memory_space<vmem>> -> memref<6240xf32, #tpu.memory_space<vmem>>
      %dma_wait3A_55 = tpu.memref_slice %arg2[%add3A] : memref<100000xf32, #tpu.memory_space<hbm>> -> memref<6240xf32, #tpu.memory_space<hbm>>
      %dma_wait3A_56 = arith.constant 0 : i32
      %dma_wait3A_57 = tpu.memref_slice %arg6[%dma_wait3A_56] : memref<6256xf32, #tpu.memory_space<vmem>> -> memref<6240xf32, #tpu.memory_space<vmem>>
      %dma_wait3A_58 = tpu.memref_slice %arg2[%add3A] : memref<100000xf32, #tpu.memory_space<hbm>> -> memref<6240xf32, #tpu.memory_space<hbm>>
      tpu.wait_dma2 semaphore(%arg20 : memref<!tpu.dma_semaphore, #tpu.memory_space<semaphore_mem>>) src(%dma_wait3A_58 : memref<6240xf32, #tpu.memory_space<hbm>>) dst(%dma_wait3A_57 : memref<6240xf32, #tpu.memory_space<vmem>>)
      %dma_wait3A_59 = arith.constant 0 : i32
      %dma_wait3A_60 = tpu.memref_slice %arg7[%dma_wait3A_59] : memref<6256xf32, #tpu.memory_space<vmem>> -> memref<6240xf32, #tpu.memory_space<vmem>>
      %dma_wait3A_61 = tpu.memref_slice %arg3[%add3A] : memref<100000xf32, #tpu.memory_space<hbm>> -> memref<6240xf32, #tpu.memory_space<hbm>>
      %dma_wait3A_62 = arith.constant 0 : i32
      %dma_wait3A_63 = tpu.memref_slice %arg7[%dma_wait3A_62] : memref<6256xf32, #tpu.memory_space<vmem>> -> memref<6240xf32, #tpu.memory_space<vmem>>
      %dma_wait3A_64 = tpu.memref_slice %arg3[%add3A] : memref<100000xf32, #tpu.memory_space<hbm>> -> memref<6240xf32, #tpu.memory_space<hbm>>
      tpu.wait_dma2 semaphore(%arg21 : memref<!tpu.dma_semaphore, #tpu.memory_space<semaphore_mem>>) src(%dma_wait3A_64 : memref<6240xf32, #tpu.memory_space<hbm>>) dst(%dma_wait3A_63 : memref<6240xf32, #tpu.memory_space<vmem>>)
      %dma_wait3A_65 = arith.constant 0 : i32
      %dma_wait3A_66 = tpu.memref_slice %arg8[%dma_wait3A_65] : memref<6256xi32, #tpu.memory_space<vmem>> -> memref<6240xi32, #tpu.memory_space<vmem>>
      %dma_wait3A_67 = tpu.memref_slice %arg4[%add3A] : memref<100000xi32, #tpu.memory_space<hbm>> -> memref<6240xi32, #tpu.memory_space<hbm>>
      %dma_wait3A_68 = arith.constant 0 : i32
      %dma_wait3A_69 = tpu.memref_slice %arg8[%dma_wait3A_68] : memref<6256xi32, #tpu.memory_space<vmem>> -> memref<6240xi32, #tpu.memory_space<vmem>>
      %dma_wait3A_70 = tpu.memref_slice %arg4[%add3A] : memref<100000xi32, #tpu.memory_space<hbm>> -> memref<6240xi32, #tpu.memory_space<hbm>>
      tpu.wait_dma2 semaphore(%arg22 : memref<!tpu.dma_semaphore, #tpu.memory_space<semaphore_mem>>) src(%dma_wait3A_70 : memref<6240xi32, #tpu.memory_space<hbm>>) dst(%dma_wait3A_69 : memref<6240xi32, #tpu.memory_space<vmem>>)
    } else {
    }
    %iota3A = tpu.iota {dimensions = array<i32: 0>} : vector<16xi32>
    %mul3A_27 = arith.constant 1025 : i32
    %mul3A_28 = vector.broadcast %mul3A_27 : i32 to vector<16xi32>
    %mul3A_29 = arith.muli %iota3A, %mul3A_28 : vector<16xi32>
    %parallel_loop3A = arith.constant 0 : i32
    %parallel_loop3A_30 = arith.constant 6240 : i32
    %parallel_loop3A_31 = arith.constant 16 : i32
    scf.for %parallel_loop3A_54 = %parallel_loop3A to %parallel_loop3A_30 step %parallel_loop3A_31  : i32 {
      %parallel_loop3A_55 = arith.index_cast %parallel_loop3A_54 : i32 to index
      %parallel_loop3A_56 = tpu.vector_load %arg6[%parallel_loop3A_55] {strides = array<i32>} : memref<6256xf32, #tpu.memory_space<vmem>>, vector<16xf32>,
      %parallel_loop3A_57 = arith.index_cast %parallel_loop3A_54 : i32 to index
      %parallel_loop3A_58 = tpu.vector_load %arg7[%parallel_loop3A_57] {strides = array<i32>} : memref<6256xf32, #tpu.memory_space<vmem>>, vector<16xf32>,
      %parallel_loop3A_59 = arith.index_cast %parallel_loop3A_54 : i32 to index
      %parallel_loop3A_60 = tpu.vector_load %arg8[%parallel_loop3A_59] {strides = array<i32>} : memref<6256xi32, #tpu.memory_space<vmem>>, vector<16xi32>,
      %parallel_loop3A_61 = arith.addi %mul3A_29, %parallel_loop3A_60 : vector<16xi32>
      %parallel_loop3A_62 = arith.mulf %parallel_loop3A_56, %parallel_loop3A_58 : vector<16xf32>
      tpu.vector_store_idx %arg9[%parallel_loop3A_61], %parallel_loop3A_62 {add = true} : memref<16640xf32, #tpu.memory_space<vmem>>[vector<16xi32>], vector<16xf32>,
      %parallel_loop3A_63 = arith.constant 512 : i32
      %parallel_loop3A_64 = vector.broadcast %parallel_loop3A_63 : i32 to vector<16xi32>
      %parallel_loop3A_65 = arith.addi %parallel_loop3A_61, %parallel_loop3A_64 : vector<16xi32>
      %parallel_loop3A_66 = arith.addf %parallel_loop3A_56, %parallel_loop3A_58 : vector<16xf32>
      tpu.vector_store_idx %arg9[%parallel_loop3A_65], %parallel_loop3A_66 {add = true} : memref<16640xf32, #tpu.memory_space<vmem>>[vector<16xi32>], vector<16xf32>,
    } {sc.loop_unroll_factor = 5 : i64, sc.parallel_access}
    %convert_element_type3A_32 = arith.extui %lt3A_0 : i1 to i32
    %cond3A_33 = arith.constant 0 : i32
    %cond3A_34 = arith.cmpi ne, %convert_element_type3A_32, %cond3A_33 : i32
    scf.if %cond3A_34 {
      %get3A = arith.constant 6240 : index
      %get3A_54 = tpu.vector_load %arg6[%get3A] {strides = array<i32>} : memref<6256xf32, #tpu.memory_space<vmem>>, vector<16xf32>,
      %get3A_55 = arith.constant 6240 : index
      %get3A_56 = tpu.vector_load %arg7[%get3A_55] {strides = array<i32>} : memref<6256xf32, #tpu.memory_space<vmem>>, vector<16xf32>,
      %get3A_57 = arith.constant 6240 : index
      %get3A_58 = tpu.vector_load %arg8[%get3A_57] {strides = array<i32>} : memref<6256xi32, #tpu.memory_space<vmem>>, vector<16xi32>,
      %add3A_59 = arith.addi %mul3A_29, %get3A_58 : vector<16xi32>
      %mul3A_60 = arith.mulf %get3A_54, %get3A_56 : vector<16xf32>
      tpu.vector_store_idx %arg9[%add3A_59], %mul3A_60 {add = true} : memref<16640xf32, #tpu.memory_space<vmem>>[vector<16xi32>], vector<16xf32>,
      %add3A_61 = arith.constant 512 : i32
      %add3A_62 = vector.broadcast %add3A_61 : i32 to vector<16xi32>
      %add3A_63 = arith.addi %add3A_59, %add3A_62 : vector<16xi32>
      %add3A_64 = arith.addf %get3A_54, %get3A_56 : vector<16xf32>
      tpu.vector_store_idx %arg9[%add3A_63], %add3A_64 {add = true} : memref<16640xf32, #tpu.memory_space<vmem>>[vector<16xi32>], vector<16xf32>,
    } else {
    }
    %parallel_loop3A_35 = arith.constant 0 : i32
    %parallel_loop3A_36 = arith.constant 1024 : i32
    %parallel_loop3A_37 = arith.constant 16 : i32
    scf.for %parallel_loop3A_54 = %parallel_loop3A_35 to %parallel_loop3A_36 step %parallel_loop3A_37  : i32 {
      %parallel_loop3A_55 = arith.index_cast %parallel_loop3A_54 : i32 to index
      %parallel_loop3A_56 = tpu.vector_load %arg9[%parallel_loop3A_55] {strides = array<i32>} : memref<16640xf32, #tpu.memory_space<vmem>>, vector<16xf32>,
      %parallel_loop3A_57 = arith.constant 1025 : i32
      %parallel_loop3A_58 = arith.addi %parallel_loop3A_57, %parallel_loop3A_54 : i32
      %parallel_loop3A_59 = arith.index_cast %parallel_loop3A_58 : i32 to index
      %parallel_loop3A_60 = tpu.vector_load %arg9[%parallel_loop3A_59] {strides = array<i32>} : memref<16640xf32, #tpu.memory_space<vmem>>, vector<16xf32>,
      %parallel_loop3A_61 = arith.addf %parallel_loop3A_56, %parallel_loop3A_60 : vector<16xf32>
      %parallel_loop3A_62 = arith.constant 2050 : i32
      %parallel_loop3A_63 = arith.addi %parallel_loop3A_62, %parallel_loop3A_54 : i32
      %parallel_loop3A_64 = arith.index_cast %parallel_loop3A_63 : i32 to index
      %parallel_loop3A_65 = tpu.vector_load %arg9[%parallel_loop3A_64] {strides = array<i32>} : memref<16640xf32, #tpu.memory_space<vmem>>, vector<16xf32>,
      %parallel_loop3A_66 = arith.addf %parallel_loop3A_61, %parallel_loop3A_65 : vector<16xf32>
      %parallel_loop3A_67 = arith.constant 3075 : i32
      %parallel_loop3A_68 = arith.addi %parallel_loop3A_67, %parallel_loop3A_54 : i32
      %parallel_loop3A_69 = arith.index_cast %parallel_loop3A_68 : i32 to index
      %parallel_loop3A_70 = tpu.vector_load %arg9[%parallel_loop3A_69] {strides = array<i32>} : memref<16640xf32, #tpu.memory_space<vmem>>, vector<16xf32>,
      %parallel_loop3A_71 = arith.addf %parallel_loop3A_66, %parallel_loop3A_70 : vector<16xf32>
      %parallel_loop3A_72 = arith.constant 4100 : i32
      %parallel_loop3A_73 = arith.addi %parallel_loop3A_72, %parallel_loop3A_54 : i32
      %parallel_loop3A_74 = arith.index_cast %parallel_loop3A_73 : i32 to index
      %parallel_loop3A_75 = tpu.vector_load %arg9[%parallel_loop3A_74] {strides = array<i32>} : memref<16640xf32, #tpu.memory_space<vmem>>, vector<16xf32>,
      %parallel_loop3A_76 = arith.addf %parallel_loop3A_71, %parallel_loop3A_75 : vector<16xf32>
      %parallel_loop3A_77 = arith.constant 5125 : i32
      %parallel_loop3A_78 = arith.addi %parallel_loop3A_77, %parallel_loop3A_54 : i32
      %parallel_loop3A_79 = arith.index_cast %parallel_loop3A_78 : i32 to index
      %parallel_loop3A_80 = tpu.vector_load %arg9[%parallel_loop3A_79] {strides = array<i32>} : memref<16640xf32, #tpu.memory_space<vmem>>, vector<16xf32>,
      %parallel_loop3A_81 = arith.addf %parallel_loop3A_76, %parallel_loop3A_80 : vector<16xf32>
      %parallel_loop3A_82 = arith.constant 6150 : i32
      %parallel_loop3A_83 = arith.addi %parallel_loop3A_82, %parallel_loop3A_54 : i32
      %parallel_loop3A_84 = arith.index_cast %parallel_loop3A_83 : i32 to index
      %parallel_loop3A_85 = tpu.vector_load %arg9[%parallel_loop3A_84] {strides = array<i32>} : memref<16640xf32, #tpu.memory_space<vmem>>, vector<16xf32>,
      %parallel_loop3A_86 = arith.addf %parallel_loop3A_81, %parallel_loop3A_85 : vector<16xf32>
      %parallel_loop3A_87 = arith.constant 7175 : i32
      %parallel_loop3A_88 = arith.addi %parallel_loop3A_87, %parallel_loop3A_54 : i32
      %parallel_loop3A_89 = arith.index_cast %parallel_loop3A_88 : i32 to index
      %parallel_loop3A_90 = tpu.vector_load %arg9[%parallel_loop3A_89] {strides = array<i32>} : memref<16640xf32, #tpu.memory_space<vmem>>, vector<16xf32>,
      %parallel_loop3A_91 = arith.addf %parallel_loop3A_86, %parallel_loop3A_90 : vector<16xf32>
      %parallel_loop3A_92 = arith.constant 8200 : i32
      %parallel_loop3A_93 = arith.addi %parallel_loop3A_92, %parallel_loop3A_54 : i32
      %parallel_loop3A_94 = arith.index_cast %parallel_loop3A_93 : i32 to index
      %parallel_loop3A_95 = tpu.vector_load %arg9[%parallel_loop3A_94] {strides = array<i32>} : memref<16640xf32, #tpu.memory_space<vmem>>, vector<16xf32>,
      %parallel_loop3A_96 = arith.addf %parallel_loop3A_91, %parallel_loop3A_95 : vector<16xf32>
      %parallel_loop3A_97 = arith.constant 9225 : i32
      %parallel_loop3A_98 = arith.addi %parallel_loop3A_97, %parallel_loop3A_54 : i32
      %parallel_loop3A_99 = arith.index_cast %parallel_loop3A_98 : i32 to index
      %parallel_loop3A_100 = tpu.vector_load %arg9[%parallel_loop3A_99] {strides = array<i32>} : memref<16640xf32, #tpu.memory_space<vmem>>, vector<16xf32>,
      %parallel_loop3A_101 = arith.addf %parallel_loop3A_96, %parallel_loop3A_100 : vector<16xf32>
      %parallel_loop3A_102 = arith.constant 10250 : i32
      %parallel_loop3A_103 = arith.addi %parallel_loop3A_102, %parallel_loop3A_54 : i32
      %parallel_loop3A_104 = arith.index_cast %parallel_loop3A_103 : i32 to index
      %parallel_loop3A_105 = tpu.vector_load %arg9[%parallel_loop3A_104] {strides = array<i32>} : memref<16640xf32, #tpu.memory_space<vmem>>, vector<16xf32>,
      %parallel_loop3A_106 = arith.addf %parallel_loop3A_101, %parallel_loop3A_105 : vector<16xf32>
      %parallel_loop3A_107 = arith.constant 11275 : i32
      %parallel_loop3A_108 = arith.addi %parallel_loop3A_107, %parallel_loop3A_54 : i32
      %parallel_loop3A_109 = arith.index_cast %parallel_loop3A_108 : i32 to index
      %parallel_loop3A_110 = tpu.vector_load %arg9[%parallel_loop3A_109] {strides = array<i32>} : memref<16640xf32, #tpu.memory_space<vmem>>, vector<16xf32>,
      %parallel_loop3A_111 = arith.addf %parallel_loop3A_106, %parallel_loop3A_110 : vector<16xf32>
      %parallel_loop3A_112 = arith.constant 12300 : i32
      %parallel_loop3A_113 = arith.addi %parallel_loop3A_112, %parallel_loop3A_54 : i32
      %parallel_loop3A_114 = arith.index_cast %parallel_loop3A_113 : i32 to index
      %parallel_loop3A_115 = tpu.vector_load %arg9[%parallel_loop3A_114] {strides = array<i32>} : memref<16640xf32, #tpu.memory_space<vmem>>, vector<16xf32>,
      %parallel_loop3A_116 = arith.addf %parallel_loop3A_111, %parallel_loop3A_115 : vector<16xf32>
      %parallel_loop3A_117 = arith.constant 13325 : i32
      %parallel_loop3A_118 = arith.addi %parallel_loop3A_117, %parallel_loop3A_54 : i32
      %parallel_loop3A_119 = arith.index_cast %parallel_loop3A_118 : i32 to index
      %parallel_loop3A_120 = tpu.vector_load %arg9[%parallel_loop3A_119] {strides = array<i32>} : memref<16640xf32, #tpu.memory_space<vmem>>, vector<16xf32>,
      %parallel_loop3A_121 = arith.addf %parallel_loop3A_116, %parallel_loop3A_120 : vector<16xf32>
      %parallel_loop3A_122 = arith.constant 14350 : i32
      %parallel_loop3A_123 = arith.addi %parallel_loop3A_122, %parallel_loop3A_54 : i32
      %parallel_loop3A_124 = arith.index_cast %parallel_loop3A_123 : i32 to index
      %parallel_loop3A_125 = tpu.vector_load %arg9[%parallel_loop3A_124] {strides = array<i32>} : memref<16640xf32, #tpu.memory_space<vmem>>, vector<16xf32>,
      %parallel_loop3A_126 = arith.addf %parallel_loop3A_121, %parallel_loop3A_125 : vector<16xf32>
      %parallel_loop3A_127 = arith.constant 15375 : i32
      %parallel_loop3A_128 = arith.addi %parallel_loop3A_127, %parallel_loop3A_54 : i32
      %parallel_loop3A_129 = arith.index_cast %parallel_loop3A_128 : i32 to index
      %parallel_loop3A_130 = tpu.vector_load %arg9[%parallel_loop3A_129] {strides = array<i32>} : memref<16640xf32, #tpu.memory_space<vmem>>, vector<16xf32>,
      %parallel_loop3A_131 = arith.addf %parallel_loop3A_126, %parallel_loop3A_130 : vector<16xf32>
      %parallel_loop3A_132 = arith.index_cast %parallel_loop3A_54 : i32 to index
      %parallel_loop3A_133 = tpu.vector_load %arg10[%parallel_loop3A_132] {strides = array<i32>} : memref<1024xf32, #tpu.memory_space<vmem>>, vector<16xf32>,
      tpu.vector_store %arg10[%parallel_loop3A_132], %parallel_loop3A_131 {strides = array<i32>} : memref<1024xf32, #tpu.memory_space<vmem>>, vector<16xf32>,
    } {sc.loop_unroll_factor = 2 : i64, sc.parallel_access}
    "tpu.region"() ({
      %run_scoped3A = tpu.sem_alloc : memref<!tpu.dma_semaphore, #tpu.memory_space<semaphore_mem>>
      %dma_start3A = arith.constant 0 : i32
      %dma_start3A_54 = tpu.memref_slice %arg17[%arg1, %dma_start3A] : memref<16x1024xf32, #tpu.memory_space<vmem_shared>> -> memref<1x1024xf32, #tpu.memory_space<vmem_shared>>
      %dma_start3A_55 = tpu.memref_squeeze %dma_start3A_54 : memref<1x1024xf32, #tpu.memory_space<vmem_shared>> -> memref<1024xf32, #tpu.memory_space<vmem_shared>>
      %dma_start3A_56 = arith.constant 0 : i32
      %dma_start3A_57 = tpu.memref_slice %arg17[%arg1, %dma_start3A_56] : memref<16x1024xf32, #tpu.memory_space<vmem_shared>> -> memref<1x1024xf32, #tpu.memory_space<vmem_shared>>
      %dma_start3A_58 = tpu.memref_squeeze %dma_start3A_57 : memref<1x1024xf32, #tpu.memory_space<vmem_shared>> -> memref<1024xf32, #tpu.memory_space<vmem_shared>>
      tpu.enqueue_dma source(%arg10 : memref<1024xf32, #tpu.memory_space<vmem>>) target(%dma_start3A_58 : memref<1024xf32, #tpu.memory_space<vmem_shared>>) target_semaphore(%run_scoped3A : memref<!tpu.dma_semaphore, #tpu.memory_space<semaphore_mem>>)
      %dma_wait3A = arith.constant 0 : i32
      %dma_wait3A_59 = tpu.memref_slice %arg17[%arg1, %dma_wait3A] : memref<16x1024xf32, #tpu.memory_space<vmem_shared>> -> memref<1x1024xf32, #tpu.memory_space<vmem_shared>>
      %dma_wait3A_60 = tpu.memref_squeeze %dma_wait3A_59 : memref<1x1024xf32, #tpu.memory_space<vmem_shared>> -> memref<1024xf32, #tpu.memory_space<vmem_shared>>
      %dma_wait3A_61 = arith.constant 0 : i32
      %dma_wait3A_62 = tpu.memref_slice %arg17[%arg1, %dma_wait3A_61] : memref<16x1024xf32, #tpu.memory_space<vmem_shared>> -> memref<1x1024xf32, #tpu.memory_space<vmem_shared>>
      %dma_wait3A_63 = tpu.memref_squeeze %dma_wait3A_62 : memref<1x1024xf32, #tpu.memory_space<vmem_shared>> -> memref<1024xf32, #tpu.memory_space<vmem_shared>>
      tpu.wait_dma2 semaphore(%run_scoped3A : memref<!tpu.dma_semaphore, #tpu.memory_space<semaphore_mem>>) src(%arg10 : memref<1024xf32, #tpu.memory_space<vmem>>) dst(%dma_wait3A_63 : memref<1024xf32, #tpu.memory_space<vmem_shared>>)
      tpu.yield
    }) : () -> ()
    %barrier3A = arith.constant 0 : index
    tpu.barrier barrier_id(%barrier3A)
    %lt3A_38 = arith.constant 8 : i32
    %lt3A_39 = arith.cmpi slt, %arg1, %lt3A_38 : i32
    %convert_element_type3A_40 = arith.extui %lt3A_39 : i1 to i32
    %cond3A_41 = arith.constant 0 : i32
    %cond3A_42 = arith.cmpi ne, %convert_element_type3A_40, %cond3A_41 : i32
    scf.if %cond3A_42 {
      %mul3A_54 = arith.constant 128 : i32
      %mul3A_55 = arith.muli %arg1, %mul3A_54 : i32
      "tpu.region"() ({
        %run_scoped3A = tpu.sem_alloc : memref<!tpu.dma_semaphore, #tpu.memory_space<semaphore_mem>>
        %dma_start3A = arith.constant 0 : i32
        %dma_start3A_704 = tpu.memref_slice %arg17[%dma_start3A, %mul3A_55] : memref<16x1024xf32, #tpu.memory_space<vmem_shared>> -> memref<16x128xf32, #tpu.memory_space<vmem_shared>>
        %dma_start3A_705 = arith.constant 0 : i32
        %dma_start3A_706 = tpu.memref_slice %arg17[%dma_start3A_705, %mul3A_55] : memref<16x1024xf32, #tpu.memory_space<vmem_shared>> -> memref<16x128xf32, #tpu.memory_space<vmem_shared>>
        tpu.enqueue_dma source(%dma_start3A_706 : memref<16x128xf32, #tpu.memory_space<vmem_shared>>) target(%arg11 : memref<16x128xf32, #tpu.memory_space<vmem>>) target_semaphore(%run_scoped3A : memref<!tpu.dma_semaphore, #tpu.memory_space<semaphore_mem>>)
        %dma_wait3A = arith.constant 0 : i32
        %dma_wait3A_707 = tpu.memref_slice %arg17[%dma_wait3A, %mul3A_55] : memref<16x1024xf32, #tpu.memory_space<vmem_shared>> -> memref<16x128xf32, #tpu.memory_space<vmem_shared>>
        %dma_wait3A_708 = arith.constant 0 : i32
        %dma_wait3A_709 = tpu.memref_slice %arg17[%dma_wait3A_708, %mul3A_55] : memref<16x1024xf32, #tpu.memory_space<vmem_shared>> -> memref<16x128xf32, #tpu.memory_space<vmem_shared>>
        tpu.wait_dma2 semaphore(%run_scoped3A : memref<!tpu.dma_semaphore, #tpu.memory_space<semaphore_mem>>) src(%dma_wait3A_709 : memref<16x128xf32, #tpu.memory_space<vmem_shared>>) dst(%arg11 : memref<16x128xf32, #tpu.memory_space<vmem>>)
        tpu.yield
      }) : () -> ()
      %get3A = arith.constant 0 : i32
      %get3A_56 = arith.index_cast %get3A : i32 to index
      %get3A_57 = arith.constant 0 : index
      %get3A_58 = tpu.vector_load %arg11[%get3A_56, %get3A_57] {strides = array<i32>} : memref<16x128xf32, #tpu.memory_space<vmem>>, vector<16xf32>,
      %get3A_59 = arith.constant 1 : i32
      %get3A_60 = arith.index_cast %get3A_59 : i32 to index
      %get3A_61 = arith.constant 0 : index
      %get3A_62 = tpu.vector_load %arg11[%get3A_60, %get3A_61] {strides = array<i32>} : memref<16x128xf32, #tpu.memory_space<vmem>>, vector<16xf32>,
      %add3A_63 = arith.addf %get3A_58, %get3A_62 : vector<16xf32>
      %get3A_64 = arith.constant 2 : i32
      %get3A_65 = arith.index_cast %get3A_64 : i32 to index
      %get3A_66 = arith.constant 0 : index
      %get3A_67 = tpu.vector_load %arg11[%get3A_65, %get3A_66] {strides = array<i32>} : memref<16x128xf32, #tpu.memory_space<vmem>>, vector<16xf32>,
      %add3A_68 = arith.addf %add3A_63, %get3A_67 : vector<16xf32>
      %get3A_69 = arith.constant 3 : i32
      %get3A_70 = arith.index_cast %get3A_69 : i32 to index
      %get3A_71 = arith.constant 0 : index
      %get3A_72 = tpu.vector_load %arg11[%get3A_70, %get3A_71] {strides = array<i32>} : memref<16x128xf32, #tpu.memory_space<vmem>>, vector<16xf32>,
      %add3A_73 = arith.addf %add3A_68, %get3A_72 : vector<16xf32>
      %get3A_74 = arith.constant 4 : i32
      %get3A_75 = arith.index_cast %get3A_74 : i32 to index
      %get3A_76 = arith.constant 0 : index
      %get3A_77 = tpu.vector_load %arg11[%get3A_75, %get3A_76] {strides = array<i32>} : memref<16x128xf32, #tpu.memory_space<vmem>>, vector<16xf32>,
      %add3A_78 = arith.addf %add3A_73, %get3A_77 : vector<16xf32>
      %get3A_79 = arith.constant 5 : i32
      %get3A_80 = arith.index_cast %get3A_79 : i32 to index
      %get3A_81 = arith.constant 0 : index
      %get3A_82 = tpu.vector_load %arg11[%get3A_80, %get3A_81] {strides = array<i32>} : memref<16x128xf32, #tpu.memory_space<vmem>>, vector<16xf32>,
      %add3A_83 = arith.addf %add3A_78, %get3A_82 : vector<16xf32>
      %get3A_84 = arith.constant 6 : i32
      %get3A_85 = arith.index_cast %get3A_84 : i32 to index
      %get3A_86 = arith.constant 0 : index
      %get3A_87 = tpu.vector_load %arg11[%get3A_85, %get3A_86] {strides = array<i32>} : memref<16x128xf32, #tpu.memory_space<vmem>>, vector<16xf32>,
      %add3A_88 = arith.addf %add3A_83, %get3A_87 : vector<16xf32>
      %get3A_89 = arith.constant 7 : i32
      %get3A_90 = arith.index_cast %get3A_89 : i32 to index
      %get3A_91 = arith.constant 0 : index
      %get3A_92 = tpu.vector_load %arg11[%get3A_90, %get3A_91] {strides = array<i32>} : memref<16x128xf32, #tpu.memory_space<vmem>>, vector<16xf32>,
      %add3A_93 = arith.addf %add3A_88, %get3A_92 : vector<16xf32>
      %get3A_94 = arith.constant 8 : i32
      %get3A_95 = arith.index_cast %get3A_94 : i32 to index
      %get3A_96 = arith.constant 0 : index
      %get3A_97 = tpu.vector_load %arg11[%get3A_95, %get3A_96] {strides = array<i32>} : memref<16x128xf32, #tpu.memory_space<vmem>>, vector<16xf32>,
      %add3A_98 = arith.addf %add3A_93, %get3A_97 : vector<16xf32>
      %get3A_99 = arith.constant 9 : i32
      %get3A_100 = arith.index_cast %get3A_99 : i32 to index
      %get3A_101 = arith.constant 0 : index
      %get3A_102 = tpu.vector_load %arg11[%get3A_100, %get3A_101] {strides = array<i32>} : memref<16x128xf32, #tpu.memory_space<vmem>>, vector<16xf32>,
      %add3A_103 = arith.addf %add3A_98, %get3A_102 : vector<16xf32>
      %get3A_104 = arith.constant 10 : i32
      %get3A_105 = arith.index_cast %get3A_104 : i32 to index
      %get3A_106 = arith.constant 0 : index
      %get3A_107 = tpu.vector_load %arg11[%get3A_105, %get3A_106] {strides = array<i32>} : memref<16x128xf32, #tpu.memory_space<vmem>>, vector<16xf32>,
      %add3A_108 = arith.addf %add3A_103, %get3A_107 : vector<16xf32>
      %get3A_109 = arith.constant 11 : i32
      %get3A_110 = arith.index_cast %get3A_109 : i32 to index
      %get3A_111 = arith.constant 0 : index
      %get3A_112 = tpu.vector_load %arg11[%get3A_110, %get3A_111] {strides = array<i32>} : memref<16x128xf32, #tpu.memory_space<vmem>>, vector<16xf32>,
      %add3A_113 = arith.addf %add3A_108, %get3A_112 : vector<16xf32>
      %get3A_114 = arith.constant 12 : i32
      %get3A_115 = arith.index_cast %get3A_114 : i32 to index
      %get3A_116 = arith.constant 0 : index
      %get3A_117 = tpu.vector_load %arg11[%get3A_115, %get3A_116] {strides = array<i32>} : memref<16x128xf32, #tpu.memory_space<vmem>>, vector<16xf32>,
      %add3A_118 = arith.addf %add3A_113, %get3A_117 : vector<16xf32>
      %get3A_119 = arith.constant 13 : i32
      %get3A_120 = arith.index_cast %get3A_119 : i32 to index
      %get3A_121 = arith.constant 0 : index
      %get3A_122 = tpu.vector_load %arg11[%get3A_120, %get3A_121] {strides = array<i32>} : memref<16x128xf32, #tpu.memory_space<vmem>>, vector<16xf32>,
      %add3A_123 = arith.addf %add3A_118, %get3A_122 : vector<16xf32>
      %get3A_124 = arith.constant 14 : i32
      %get3A_125 = arith.index_cast %get3A_124 : i32 to index
      %get3A_126 = arith.constant 0 : index
      %get3A_127 = tpu.vector_load %arg11[%get3A_125, %get3A_126] {strides = array<i32>} : memref<16x128xf32, #tpu.memory_space<vmem>>, vector<16xf32>,
      %add3A_128 = arith.addf %add3A_123, %get3A_127 : vector<16xf32>
      %get3A_129 = arith.constant 15 : i32
      %get3A_130 = arith.index_cast %get3A_129 : i32 to index
      %get3A_131 = arith.constant 0 : index
      %get3A_132 = tpu.vector_load %arg11[%get3A_130, %get3A_131] {strides = array<i32>} : memref<16x128xf32, #tpu.memory_space<vmem>>, vector<16xf32>,
      %add3A_133 = arith.addf %add3A_128, %get3A_132 : vector<16xf32>
      %swap3A = arith.constant 0 : index
      %swap3A_134 = tpu.vector_load %arg12[%swap3A] {strides = array<i32>} : memref<128xf32, #tpu.memory_space<vmem>>, vector<16xf32>,
      tpu.vector_store %arg12[%swap3A], %add3A_133 {strides = array<i32>} : memref<128xf32, #tpu.memory_space<vmem>>, vector<16xf32>,
      %get3A_135 = arith.constant 0 : i32
      %get3A_136 = arith.index_cast %get3A_135 : i32 to index
      %get3A_137 = arith.constant 16 : index
      %get3A_138 = tpu.vector_load %arg11[%get3A_136, %get3A_137] {strides = array<i32>} : memref<16x128xf32, #tpu.memory_space<vmem>>, vector<16xf32>,
      %get3A_139 = arith.constant 1 : i32
      %get3A_140 = arith.index_cast %get3A_139 : i32 to index
      %get3A_141 = arith.constant 16 : index
      %get3A_142 = tpu.vector_load %arg11[%get3A_140, %get3A_141] {strides = array<i32>} : memref<16x128xf32, #tpu.memory_space<vmem>>, vector<16xf32>,
      %add3A_143 = arith.addf %get3A_138, %get3A_142 : vector<16xf32>
      %get3A_144 = arith.constant 2 : i32
      %get3A_145 = arith.index_cast %get3A_144 : i32 to index
      %get3A_146 = arith.constant 16 : index
      %get3A_147 = tpu.vector_load %arg11[%get3A_145, %get3A_146] {strides = array<i32>} : memref<16x128xf32, #tpu.memory_space<vmem>>, vector<16xf32>,
      %add3A_148 = arith.addf %add3A_143, %get3A_147 : vector<16xf32>
      %get3A_149 = arith.constant 3 : i32
      %get3A_150 = arith.index_cast %get3A_149 : i32 to index
      %get3A_151 = arith.constant 16 : index
      %get3A_152 = tpu.vector_load %arg11[%get3A_150, %get3A_151] {strides = array<i32>} : memref<16x128xf32, #tpu.memory_space<vmem>>, vector<16xf32>,
      %add3A_153 = arith.addf %add3A_148, %get3A_152 : vector<16xf32>
      %get3A_154 = arith.constant 4 : i32
      %get3A_155 = arith.index_cast %get3A_154 : i32 to index
      %get3A_156 = arith.constant 16 : index
      %get3A_157 = tpu.vector_load %arg11[%get3A_155, %get3A_156] {strides = array<i32>} : memref<16x128xf32, #tpu.memory_space<vmem>>, vector<16xf32>,
      %add3A_158 = arith.addf %add3A_153, %get3A_157 : vector<16xf32>
      %get3A_159 = arith.constant 5 : i32
      %get3A_160 = arith.index_cast %get3A_159 : i32 to index
      %get3A_161 = arith.constant 16 : index
      %get3A_162 = tpu.vector_load %arg11[%get3A_160, %get3A_161] {strides = array<i32>} : memref<16x128xf32, #tpu.memory_space<vmem>>, vector<16xf32>,
      %add3A_163 = arith.addf %add3A_158, %get3A_162 : vector<16xf32>
      %get3A_164 = arith.constant 6 : i32
      %get3A_165 = arith.index_cast %get3A_164 : i32 to index
      %get3A_166 = arith.constant 16 : index
      %get3A_167 = tpu.vector_load %arg11[%get3A_165, %get3A_166] {strides = array<i32>} : memref<16x128xf32, #tpu.memory_space<vmem>>, vector<16xf32>,
      %add3A_168 = arith.addf %add3A_163, %get3A_167 : vector<16xf32>
      %get3A_169 = arith.constant 7 : i32
      %get3A_170 = arith.index_cast %get3A_169 : i32 to index
      %get3A_171 = arith.constant 16 : index
      %get3A_172 = tpu.vector_load %arg11[%get3A_170, %get3A_171] {strides = array<i32>} : memref<16x128xf32, #tpu.memory_space<vmem>>, vector<16xf32>,
      %add3A_173 = arith.addf %add3A_168, %get3A_172 : vector<16xf32>
      %get3A_174 = arith.constant 8 : i32
      %get3A_175 = arith.index_cast %get3A_174 : i32 to index
      %get3A_176 = arith.constant 16 : index
      %get3A_177 = tpu.vector_load %arg11[%get3A_175, %get3A_176] {strides = array<i32>} : memref<16x128xf32, #tpu.memory_space<vmem>>, vector<16xf32>,
      %add3A_178 = arith.addf %add3A_173, %get3A_177 : vector<16xf32>
      %get3A_179 = arith.constant 9 : i32
      %get3A_180 = arith.index_cast %get3A_179 : i32 to index
      %get3A_181 = arith.constant 16 : index
      %get3A_182 = tpu.vector_load %arg11[%get3A_180, %get3A_181] {strides = array<i32>} : memref<16x128xf32, #tpu.memory_space<vmem>>, vector<16xf32>,
      %add3A_183 = arith.addf %add3A_178, %get3A_182 : vector<16xf32>
      %get3A_184 = arith.constant 10 : i32
      %get3A_185 = arith.index_cast %get3A_184 : i32 to index
      %get3A_186 = arith.constant 16 : index
      %get3A_187 = tpu.vector_load %arg11[%get3A_185, %get3A_186] {strides = array<i32>} : memref<16x128xf32, #tpu.memory_space<vmem>>, vector<16xf32>,
      %add3A_188 = arith.addf %add3A_183, %get3A_187 : vector<16xf32>
      %get3A_189 = arith.constant 11 : i32
      %get3A_190 = arith.index_cast %get3A_189 : i32 to index
      %get3A_191 = arith.constant 16 : index
      %get3A_192 = tpu.vector_load %arg11[%get3A_190, %get3A_191] {strides = array<i32>} : memref<16x128xf32, #tpu.memory_space<vmem>>, vector<16xf32>,
      %add3A_193 = arith.addf %add3A_188, %get3A_192 : vector<16xf32>
      %get3A_194 = arith.constant 12 : i32
      %get3A_195 = arith.index_cast %get3A_194 : i32 to index
      %get3A_196 = arith.constant 16 : index
      %get3A_197 = tpu.vector_load %arg11[%get3A_195, %get3A_196] {strides = array<i32>} : memref<16x128xf32, #tpu.memory_space<vmem>>, vector<16xf32>,
      %add3A_198 = arith.addf %add3A_193, %get3A_197 : vector<16xf32>
      %get3A_199 = arith.constant 13 : i32
      %get3A_200 = arith.index_cast %get3A_199 : i32 to index
      %get3A_201 = arith.constant 16 : index
      %get3A_202 = tpu.vector_load %arg11[%get3A_200, %get3A_201] {strides = array<i32>} : memref<16x128xf32, #tpu.memory_space<vmem>>, vector<16xf32>,
      %add3A_203 = arith.addf %add3A_198, %get3A_202 : vector<16xf32>
      %get3A_204 = arith.constant 14 : i32
      %get3A_205 = arith.index_cast %get3A_204 : i32 to index
      %get3A_206 = arith.constant 16 : index
      %get3A_207 = tpu.vector_load %arg11[%get3A_205, %get3A_206] {strides = array<i32>} : memref<16x128xf32, #tpu.memory_space<vmem>>, vector<16xf32>,
      %add3A_208 = arith.addf %add3A_203, %get3A_207 : vector<16xf32>
      %get3A_209 = arith.constant 15 : i32
      %get3A_210 = arith.index_cast %get3A_209 : i32 to index
      %get3A_211 = arith.constant 16 : index
      %get3A_212 = tpu.vector_load %arg11[%get3A_210, %get3A_211] {strides = array<i32>} : memref<16x128xf32, #tpu.memory_space<vmem>>, vector<16xf32>,
      %add3A_213 = arith.addf %add3A_208, %get3A_212 : vector<16xf32>
      %swap3A_214 = arith.constant 16 : index
      %swap3A_215 = tpu.vector_load %arg12[%swap3A_214] {strides = array<i32>} : memref<128xf32, #tpu.memory_space<vmem>>, vector<16xf32>,
      tpu.vector_store %arg12[%swap3A_214], %add3A_213 {strides = array<i32>} : memref<128xf32, #tpu.memory_space<vmem>>, vector<16xf32>,
      %get3A_216 = arith.constant 0 : i32
      %get3A_217 = arith.index_cast %get3A_216 : i32 to index
      %get3A_218 = arith.constant 32 : index
      %get3A_219 = tpu.vector_load %arg11[%get3A_217, %get3A_218] {strides = array<i32>} : memref<16x128xf32, #tpu.memory_space<vmem>>, vector<16xf32>,
      %get3A_220 = arith.constant 1 : i32
      %get3A_221 = arith.index_cast %get3A_220 : i32 to index
      %get3A_222 = arith.constant 32 : index
      %get3A_223 = tpu.vector_load %arg11[%get3A_221, %get3A_222] {strides = array<i32>} : memref<16x128xf32, #tpu.memory_space<vmem>>, vector<16xf32>,
      %add3A_224 = arith.addf %get3A_219, %get3A_223 : vector<16xf32>
      %get3A_225 = arith.constant 2 : i32
      %get3A_226 = arith.index_cast %get3A_225 : i32 to index
      %get3A_227 = arith.constant 32 : index
      %get3A_228 = tpu.vector_load %arg11[%get3A_226, %get3A_227] {strides = array<i32>} : memref<16x128xf32, #tpu.memory_space<vmem>>, vector<16xf32>,
      %add3A_229 = arith.addf %add3A_224, %get3A_228 : vector<16xf32>
      %get3A_230 = arith.constant 3 : i32
      %get3A_231 = arith.index_cast %get3A_230 : i32 to index
      %get3A_232 = arith.constant 32 : index
      %get3A_233 = tpu.vector_load %arg11[%get3A_231, %get3A_232] {strides = array<i32>} : memref<16x128xf32, #tpu.memory_space<vmem>>, vector<16xf32>,
      %add3A_234 = arith.addf %add3A_229, %get3A_233 : vector<16xf32>
      %get3A_235 = arith.constant 4 : i32
      %get3A_236 = arith.index_cast %get3A_235 : i32 to index
      %get3A_237 = arith.constant 32 : index
      %get3A_238 = tpu.vector_load %arg11[%get3A_236, %get3A_237] {strides = array<i32>} : memref<16x128xf32, #tpu.memory_space<vmem>>, vector<16xf32>,
      %add3A_239 = arith.addf %add3A_234, %get3A_238 : vector<16xf32>
      %get3A_240 = arith.constant 5 : i32
      %get3A_241 = arith.index_cast %get3A_240 : i32 to index
      %get3A_242 = arith.constant 32 : index
      %get3A_243 = tpu.vector_load %arg11[%get3A_241, %get3A_242] {strides = array<i32>} : memref<16x128xf32, #tpu.memory_space<vmem>>, vector<16xf32>,
      %add3A_244 = arith.addf %add3A_239, %get3A_243 : vector<16xf32>
      %get3A_245 = arith.constant 6 : i32
      %get3A_246 = arith.index_cast %get3A_245 : i32 to index
      %get3A_247 = arith.constant 32 : index
      %get3A_248 = tpu.vector_load %arg11[%get3A_246, %get3A_247] {strides = array<i32>} : memref<16x128xf32, #tpu.memory_space<vmem>>, vector<16xf32>,
      %add3A_249 = arith.addf %add3A_244, %get3A_248 : vector<16xf32>
      %get3A_250 = arith.constant 7 : i32
      %get3A_251 = arith.index_cast %get3A_250 : i32 to index
      %get3A_252 = arith.constant 32 : index
      %get3A_253 = tpu.vector_load %arg11[%get3A_251, %get3A_252] {strides = array<i32>} : memref<16x128xf32, #tpu.memory_space<vmem>>, vector<16xf32>,
      %add3A_254 = arith.addf %add3A_249, %get3A_253 : vector<16xf32>
      %get3A_255 = arith.constant 8 : i32
      %get3A_256 = arith.index_cast %get3A_255 : i32 to index
      %get3A_257 = arith.constant 32 : index
      %get3A_258 = tpu.vector_load %arg11[%get3A_256, %get3A_257] {strides = array<i32>} : memref<16x128xf32, #tpu.memory_space<vmem>>, vector<16xf32>,
      %add3A_259 = arith.addf %add3A_254, %get3A_258 : vector<16xf32>
      %get3A_260 = arith.constant 9 : i32
      %get3A_261 = arith.index_cast %get3A_260 : i32 to index
      %get3A_262 = arith.constant 32 : index
      %get3A_263 = tpu.vector_load %arg11[%get3A_261, %get3A_262] {strides = array<i32>} : memref<16x128xf32, #tpu.memory_space<vmem>>, vector<16xf32>,
      %add3A_264 = arith.addf %add3A_259, %get3A_263 : vector<16xf32>
      %get3A_265 = arith.constant 10 : i32
      %get3A_266 = arith.index_cast %get3A_265 : i32 to index
      %get3A_267 = arith.constant 32 : index
      %get3A_268 = tpu.vector_load %arg11[%get3A_266, %get3A_267] {strides = array<i32>} : memref<16x128xf32, #tpu.memory_space<vmem>>, vector<16xf32>,
      %add3A_269 = arith.addf %add3A_264, %get3A_268 : vector<16xf32>
      %get3A_270 = arith.constant 11 : i32
      %get3A_271 = arith.index_cast %get3A_270 : i32 to index
      %get3A_272 = arith.constant 32 : index
      %get3A_273 = tpu.vector_load %arg11[%get3A_271, %get3A_272] {strides = array<i32>} : memref<16x128xf32, #tpu.memory_space<vmem>>, vector<16xf32>,
      %add3A_274 = arith.addf %add3A_269, %get3A_273 : vector<16xf32>
      %get3A_275 = arith.constant 12 : i32
      %get3A_276 = arith.index_cast %get3A_275 : i32 to index
      %get3A_277 = arith.constant 32 : index
      %get3A_278 = tpu.vector_load %arg11[%get3A_276, %get3A_277] {strides = array<i32>} : memref<16x128xf32, #tpu.memory_space<vmem>>, vector<16xf32>,
      %add3A_279 = arith.addf %add3A_274, %get3A_278 : vector<16xf32>
      %get3A_280 = arith.constant 13 : i32
      %get3A_281 = arith.index_cast %get3A_280 : i32 to index
      %get3A_282 = arith.constant 32 : index
      %get3A_283 = tpu.vector_load %arg11[%get3A_281, %get3A_282] {strides = array<i32>} : memref<16x128xf32, #tpu.memory_space<vmem>>, vector<16xf32>,
      %add3A_284 = arith.addf %add3A_279, %get3A_283 : vector<16xf32>
      %get3A_285 = arith.constant 14 : i32
      %get3A_286 = arith.index_cast %get3A_285 : i32 to index
      %get3A_287 = arith.constant 32 : index
      %get3A_288 = tpu.vector_load %arg11[%get3A_286, %get3A_287] {strides = array<i32>} : memref<16x128xf32, #tpu.memory_space<vmem>>, vector<16xf32>,
      %add3A_289 = arith.addf %add3A_284, %get3A_288 : vector<16xf32>
      %get3A_290 = arith.constant 15 : i32
      %get3A_291 = arith.index_cast %get3A_290 : i32 to index
      %get3A_292 = arith.constant 32 : index
      %get3A_293 = tpu.vector_load %arg11[%get3A_291, %get3A_292] {strides = array<i32>} : memref<16x128xf32, #tpu.memory_space<vmem>>, vector<16xf32>,
      %add3A_294 = arith.addf %add3A_289, %get3A_293 : vector<16xf32>
      %swap3A_295 = arith.constant 32 : index
      %swap3A_296 = tpu.vector_load %arg12[%swap3A_295] {strides = array<i32>} : memref<128xf32, #tpu.memory_space<vmem>>, vector<16xf32>,
      tpu.vector_store %arg12[%swap3A_295], %add3A_294 {strides = array<i32>} : memref<128xf32, #tpu.memory_space<vmem>>, vector<16xf32>,
      %get3A_297 = arith.constant 0 : i32
      %get3A_298 = arith.index_cast %get3A_297 : i32 to index
      %get3A_299 = arith.constant 48 : index
      %get3A_300 = tpu.vector_load %arg11[%get3A_298, %get3A_299] {strides = array<i32>} : memref<16x128xf32, #tpu.memory_space<vmem>>, vector<16xf32>,
      %get3A_301 = arith.constant 1 : i32
      %get3A_302 = arith.index_cast %get3A_301 : i32 to index
      %get3A_303 = arith.constant 48 : index
      %get3A_304 = tpu.vector_load %arg11[%get3A_302, %get3A_303] {strides = array<i32>} : memref<16x128xf32, #tpu.memory_space<vmem>>, vector<16xf32>,
      %add3A_305 = arith.addf %get3A_300, %get3A_304 : vector<16xf32>
      %get3A_306 = arith.constant 2 : i32
      %get3A_307 = arith.index_cast %get3A_306 : i32 to index
      %get3A_308 = arith.constant 48 : index
      %get3A_309 = tpu.vector_load %arg11[%get3A_307, %get3A_308] {strides = array<i32>} : memref<16x128xf32, #tpu.memory_space<vmem>>, vector<16xf32>,
      %add3A_310 = arith.addf %add3A_305, %get3A_309 : vector<16xf32>
      %get3A_311 = arith.constant 3 : i32
      %get3A_312 = arith.index_cast %get3A_311 : i32 to index
      %get3A_313 = arith.constant 48 : index
      %get3A_314 = tpu.vector_load %arg11[%get3A_312, %get3A_313] {strides = array<i32>} : memref<16x128xf32, #tpu.memory_space<vmem>>, vector<16xf32>,
      %add3A_315 = arith.addf %add3A_310, %get3A_314 : vector<16xf32>
      %get3A_316 = arith.constant 4 : i32
      %get3A_317 = arith.index_cast %get3A_316 : i32 to index
      %get3A_318 = arith.constant 48 : index
      %get3A_319 = tpu.vector_load %arg11[%get3A_317, %get3A_318] {strides = array<i32>} : memref<16x128xf32, #tpu.memory_space<vmem>>, vector<16xf32>,
      %add3A_320 = arith.addf %add3A_315, %get3A_319 : vector<16xf32>
      %get3A_321 = arith.constant 5 : i32
      %get3A_322 = arith.index_cast %get3A_321 : i32 to index
      %get3A_323 = arith.constant 48 : index
      %get3A_324 = tpu.vector_load %arg11[%get3A_322, %get3A_323] {strides = array<i32>} : memref<16x128xf32, #tpu.memory_space<vmem>>, vector<16xf32>,
      %add3A_325 = arith.addf %add3A_320, %get3A_324 : vector<16xf32>
      %get3A_326 = arith.constant 6 : i32
      %get3A_327 = arith.index_cast %get3A_326 : i32 to index
      %get3A_328 = arith.constant 48 : index
      %get3A_329 = tpu.vector_load %arg11[%get3A_327, %get3A_328] {strides = array<i32>} : memref<16x128xf32, #tpu.memory_space<vmem>>, vector<16xf32>,
      %add3A_330 = arith.addf %add3A_325, %get3A_329 : vector<16xf32>
      %get3A_331 = arith.constant 7 : i32
      %get3A_332 = arith.index_cast %get3A_331 : i32 to index
      %get3A_333 = arith.constant 48 : index
      %get3A_334 = tpu.vector_load %arg11[%get3A_332, %get3A_333] {strides = array<i32>} : memref<16x128xf32, #tpu.memory_space<vmem>>, vector<16xf32>,
      %add3A_335 = arith.addf %add3A_330, %get3A_334 : vector<16xf32>
      %get3A_336 = arith.constant 8 : i32
      %get3A_337 = arith.index_cast %get3A_336 : i32 to index
      %get3A_338 = arith.constant 48 : index
      %get3A_339 = tpu.vector_load %arg11[%get3A_337, %get3A_338] {strides = array<i32>} : memref<16x128xf32, #tpu.memory_space<vmem>>, vector<16xf32>,
      %add3A_340 = arith.addf %add3A_335, %get3A_339 : vector<16xf32>
      %get3A_341 = arith.constant 9 : i32
      %get3A_342 = arith.index_cast %get3A_341 : i32 to index
      %get3A_343 = arith.constant 48 : index
      %get3A_344 = tpu.vector_load %arg11[%get3A_342, %get3A_343] {strides = array<i32>} : memref<16x128xf32, #tpu.memory_space<vmem>>, vector<16xf32>,
      %add3A_345 = arith.addf %add3A_340, %get3A_344 : vector<16xf32>
      %get3A_346 = arith.constant 10 : i32
      %get3A_347 = arith.index_cast %get3A_346 : i32 to index
      %get3A_348 = arith.constant 48 : index
      %get3A_349 = tpu.vector_load %arg11[%get3A_347, %get3A_348] {strides = array<i32>} : memref<16x128xf32, #tpu.memory_space<vmem>>, vector<16xf32>,
      %add3A_350 = arith.addf %add3A_345, %get3A_349 : vector<16xf32>
      %get3A_351 = arith.constant 11 : i32
      %get3A_352 = arith.index_cast %get3A_351 : i32 to index
      %get3A_353 = arith.constant 48 : index
      %get3A_354 = tpu.vector_load %arg11[%get3A_352, %get3A_353] {strides = array<i32>} : memref<16x128xf32, #tpu.memory_space<vmem>>, vector<16xf32>,
      %add3A_355 = arith.addf %add3A_350, %get3A_354 : vector<16xf32>
      %get3A_356 = arith.constant 12 : i32
      %get3A_357 = arith.index_cast %get3A_356 : i32 to index
      %get3A_358 = arith.constant 48 : index
      %get3A_359 = tpu.vector_load %arg11[%get3A_357, %get3A_358] {strides = array<i32>} : memref<16x128xf32, #tpu.memory_space<vmem>>, vector<16xf32>,
      %add3A_360 = arith.addf %add3A_355, %get3A_359 : vector<16xf32>
      %get3A_361 = arith.constant 13 : i32
      %get3A_362 = arith.index_cast %get3A_361 : i32 to index
      %get3A_363 = arith.constant 48 : index
      %get3A_364 = tpu.vector_load %arg11[%get3A_362, %get3A_363] {strides = array<i32>} : memref<16x128xf32, #tpu.memory_space<vmem>>, vector<16xf32>,
      %add3A_365 = arith.addf %add3A_360, %get3A_364 : vector<16xf32>
      %get3A_366 = arith.constant 14 : i32
      %get3A_367 = arith.index_cast %get3A_366 : i32 to index
      %get3A_368 = arith.constant 48 : index
      %get3A_369 = tpu.vector_load %arg11[%get3A_367, %get3A_368] {strides = array<i32>} : memref<16x128xf32, #tpu.memory_space<vmem>>, vector<16xf32>,
      %add3A_370 = arith.addf %add3A_365, %get3A_369 : vector<16xf32>
      %get3A_371 = arith.constant 15 : i32
      %get3A_372 = arith.index_cast %get3A_371 : i32 to index
      %get3A_373 = arith.constant 48 : index
      %get3A_374 = tpu.vector_load %arg11[%get3A_372, %get3A_373] {strides = array<i32>} : memref<16x128xf32, #tpu.memory_space<vmem>>, vector<16xf32>,
      %add3A_375 = arith.addf %add3A_370, %get3A_374 : vector<16xf32>
      %swap3A_376 = arith.constant 48 : index
      %swap3A_377 = tpu.vector_load %arg12[%swap3A_376] {strides = array<i32>} : memref<128xf32, #tpu.memory_space<vmem>>, vector<16xf32>,
      tpu.vector_store %arg12[%swap3A_376], %add3A_375 {strides = array<i32>} : memref<128xf32, #tpu.memory_space<vmem>>, vector<16xf32>,
      %get3A_378 = arith.constant 0 : i32
      %get3A_379 = arith.index_cast %get3A_378 : i32 to index
      %get3A_380 = arith.constant 64 : index
      %get3A_381 = tpu.vector_load %arg11[%get3A_379, %get3A_380] {strides = array<i32>} : memref<16x128xf32, #tpu.memory_space<vmem>>, vector<16xf32>,
      %get3A_382 = arith.constant 1 : i32
      %get3A_383 = arith.index_cast %get3A_382 : i32 to index
      %get3A_384 = arith.constant 64 : index
      %get3A_385 = tpu.vector_load %arg11[%get3A_383, %get3A_384] {strides = array<i32>} : memref<16x128xf32, #tpu.memory_space<vmem>>, vector<16xf32>,
      %add3A_386 = arith.addf %get3A_381, %get3A_385 : vector<16xf32>
      %get3A_387 = arith.constant 2 : i32
      %get3A_388 = arith.index_cast %get3A_387 : i32 to index
      %get3A_389 = arith.constant 64 : index
      %get3A_390 = tpu.vector_load %arg11[%get3A_388, %get3A_389] {strides = array<i32>} : memref<16x128xf32, #tpu.memory_space<vmem>>, vector<16xf32>,
      %add3A_391 = arith.addf %add3A_386, %get3A_390 : vector<16xf32>
      %get3A_392 = arith.constant 3 : i32
      %get3A_393 = arith.index_cast %get3A_392 : i32 to index
      %get3A_394 = arith.constant 64 : index
      %get3A_395 = tpu.vector_load %arg11[%get3A_393, %get3A_394] {strides = array<i32>} : memref<16x128xf32, #tpu.memory_space<vmem>>, vector<16xf32>,
      %add3A_396 = arith.addf %add3A_391, %get3A_395 : vector<16xf32>
      %get3A_397 = arith.constant 4 : i32
      %get3A_398 = arith.index_cast %get3A_397 : i32 to index
      %get3A_399 = arith.constant 64 : index
      %get3A_400 = tpu.vector_load %arg11[%get3A_398, %get3A_399] {strides = array<i32>} : memref<16x128xf32, #tpu.memory_space<vmem>>, vector<16xf32>,
      %add3A_401 = arith.addf %add3A_396, %get3A_400 : vector<16xf32>
      %get3A_402 = arith.constant 5 : i32
      %get3A_403 = arith.index_cast %get3A_402 : i32 to index
      %get3A_404 = arith.constant 64 : index
      %get3A_405 = tpu.vector_load %arg11[%get3A_403, %get3A_404] {strides = array<i32>} : memref<16x128xf32, #tpu.memory_space<vmem>>, vector<16xf32>,
      %add3A_406 = arith.addf %add3A_401, %get3A_405 : vector<16xf32>
      %get3A_407 = arith.constant 6 : i32
      %get3A_408 = arith.index_cast %get3A_407 : i32 to index
      %get3A_409 = arith.constant 64 : index
      %get3A_410 = tpu.vector_load %arg11[%get3A_408, %get3A_409] {strides = array<i32>} : memref<16x128xf32, #tpu.memory_space<vmem>>, vector<16xf32>,
      %add3A_411 = arith.addf %add3A_406, %get3A_410 : vector<16xf32>
      %get3A_412 = arith.constant 7 : i32
      %get3A_413 = arith.index_cast %get3A_412 : i32 to index
      %get3A_414 = arith.constant 64 : index
      %get3A_415 = tpu.vector_load %arg11[%get3A_413, %get3A_414] {strides = array<i32>} : memref<16x128xf32, #tpu.memory_space<vmem>>, vector<16xf32>,
      %add3A_416 = arith.addf %add3A_411, %get3A_415 : vector<16xf32>
      %get3A_417 = arith.constant 8 : i32
      %get3A_418 = arith.index_cast %get3A_417 : i32 to index
      %get3A_419 = arith.constant 64 : index
      %get3A_420 = tpu.vector_load %arg11[%get3A_418, %get3A_419] {strides = array<i32>} : memref<16x128xf32, #tpu.memory_space<vmem>>, vector<16xf32>,
      %add3A_421 = arith.addf %add3A_416, %get3A_420 : vector<16xf32>
      %get3A_422 = arith.constant 9 : i32
      %get3A_423 = arith.index_cast %get3A_422 : i32 to index
      %get3A_424 = arith.constant 64 : index
      %get3A_425 = tpu.vector_load %arg11[%get3A_423, %get3A_424] {strides = array<i32>} : memref<16x128xf32, #tpu.memory_space<vmem>>, vector<16xf32>,
      %add3A_426 = arith.addf %add3A_421, %get3A_425 : vector<16xf32>
      %get3A_427 = arith.constant 10 : i32
      %get3A_428 = arith.index_cast %get3A_427 : i32 to index
      %get3A_429 = arith.constant 64 : index
      %get3A_430 = tpu.vector_load %arg11[%get3A_428, %get3A_429] {strides = array<i32>} : memref<16x128xf32, #tpu.memory_space<vmem>>, vector<16xf32>,
      %add3A_431 = arith.addf %add3A_426, %get3A_430 : vector<16xf32>
      %get3A_432 = arith.constant 11 : i32
      %get3A_433 = arith.index_cast %get3A_432 : i32 to index
      %get3A_434 = arith.constant 64 : index
      %get3A_435 = tpu.vector_load %arg11[%get3A_433, %get3A_434] {strides = array<i32>} : memref<16x128xf32, #tpu.memory_space<vmem>>, vector<16xf32>,
      %add3A_436 = arith.addf %add3A_431, %get3A_435 : vector<16xf32>
      %get3A_437 = arith.constant 12 : i32
      %get3A_438 = arith.index_cast %get3A_437 : i32 to index
      %get3A_439 = arith.constant 64 : index
      %get3A_440 = tpu.vector_load %arg11[%get3A_438, %get3A_439] {strides = array<i32>} : memref<16x128xf32, #tpu.memory_space<vmem>>, vector<16xf32>,
      %add3A_441 = arith.addf %add3A_436, %get3A_440 : vector<16xf32>
      %get3A_442 = arith.constant 13 : i32
      %get3A_443 = arith.index_cast %get3A_442 : i32 to index
      %get3A_444 = arith.constant 64 : index
      %get3A_445 = tpu.vector_load %arg11[%get3A_443, %get3A_444] {strides = array<i32>} : memref<16x128xf32, #tpu.memory_space<vmem>>, vector<16xf32>,
      %add3A_446 = arith.addf %add3A_441, %get3A_445 : vector<16xf32>
      %get3A_447 = arith.constant 14 : i32
      %get3A_448 = arith.index_cast %get3A_447 : i32 to index
      %get3A_449 = arith.constant 64 : index
      %get3A_450 = tpu.vector_load %arg11[%get3A_448, %get3A_449] {strides = array<i32>} : memref<16x128xf32, #tpu.memory_space<vmem>>, vector<16xf32>,
      %add3A_451 = arith.addf %add3A_446, %get3A_450 : vector<16xf32>
      %get3A_452 = arith.constant 15 : i32
      %get3A_453 = arith.index_cast %get3A_452 : i32 to index
      %get3A_454 = arith.constant 64 : index
      %get3A_455 = tpu.vector_load %arg11[%get3A_453, %get3A_454] {strides = array<i32>} : memref<16x128xf32, #tpu.memory_space<vmem>>, vector<16xf32>,
      %add3A_456 = arith.addf %add3A_451, %get3A_455 : vector<16xf32>
      %swap3A_457 = arith.constant 64 : index
      %swap3A_458 = tpu.vector_load %arg12[%swap3A_457] {strides = array<i32>} : memref<128xf32, #tpu.memory_space<vmem>>, vector<16xf32>,
      tpu.vector_store %arg12[%swap3A_457], %add3A_456 {strides = array<i32>} : memref<128xf32, #tpu.memory_space<vmem>>, vector<16xf32>,
      %get3A_459 = arith.constant 0 : i32
      %get3A_460 = arith.index_cast %get3A_459 : i32 to index
      %get3A_461 = arith.constant 80 : index
      %get3A_462 = tpu.vector_load %arg11[%get3A_460, %get3A_461] {strides = array<i32>} : memref<16x128xf32, #tpu.memory_space<vmem>>, vector<16xf32>,
      %get3A_463 = arith.constant 1 : i32
      %get3A_464 = arith.index_cast %get3A_463 : i32 to index
      %get3A_465 = arith.constant 80 : index
      %get3A_466 = tpu.vector_load %arg11[%get3A_464, %get3A_465] {strides = array<i32>} : memref<16x128xf32, #tpu.memory_space<vmem>>, vector<16xf32>,
      %add3A_467 = arith.addf %get3A_462, %get3A_466 : vector<16xf32>
      %get3A_468 = arith.constant 2 : i32
      %get3A_469 = arith.index_cast %get3A_468 : i32 to index
      %get3A_470 = arith.constant 80 : index
      %get3A_471 = tpu.vector_load %arg11[%get3A_469, %get3A_470] {strides = array<i32>} : memref<16x128xf32, #tpu.memory_space<vmem>>, vector<16xf32>,
      %add3A_472 = arith.addf %add3A_467, %get3A_471 : vector<16xf32>
      %get3A_473 = arith.constant 3 : i32
      %get3A_474 = arith.index_cast %get3A_473 : i32 to index
      %get3A_475 = arith.constant 80 : index
      %get3A_476 = tpu.vector_load %arg11[%get3A_474, %get3A_475] {strides = array<i32>} : memref<16x128xf32, #tpu.memory_space<vmem>>, vector<16xf32>,
      %add3A_477 = arith.addf %add3A_472, %get3A_476 : vector<16xf32>
      %get3A_478 = arith.constant 4 : i32
      %get3A_479 = arith.index_cast %get3A_478 : i32 to index
      %get3A_480 = arith.constant 80 : index
      %get3A_481 = tpu.vector_load %arg11[%get3A_479, %get3A_480] {strides = array<i32>} : memref<16x128xf32, #tpu.memory_space<vmem>>, vector<16xf32>,
      %add3A_482 = arith.addf %add3A_477, %get3A_481 : vector<16xf32>
      %get3A_483 = arith.constant 5 : i32
      %get3A_484 = arith.index_cast %get3A_483 : i32 to index
      %get3A_485 = arith.constant 80 : index
      %get3A_486 = tpu.vector_load %arg11[%get3A_484, %get3A_485] {strides = array<i32>} : memref<16x128xf32, #tpu.memory_space<vmem>>, vector<16xf32>,
      %add3A_487 = arith.addf %add3A_482, %get3A_486 : vector<16xf32>
      %get3A_488 = arith.constant 6 : i32
      %get3A_489 = arith.index_cast %get3A_488 : i32 to index
      %get3A_490 = arith.constant 80 : index
      %get3A_491 = tpu.vector_load %arg11[%get3A_489, %get3A_490] {strides = array<i32>} : memref<16x128xf32, #tpu.memory_space<vmem>>, vector<16xf32>,
      %add3A_492 = arith.addf %add3A_487, %get3A_491 : vector<16xf32>
      %get3A_493 = arith.constant 7 : i32
      %get3A_494 = arith.index_cast %get3A_493 : i32 to index
      %get3A_495 = arith.constant 80 : index
      %get3A_496 = tpu.vector_load %arg11[%get3A_494, %get3A_495] {strides = array<i32>} : memref<16x128xf32, #tpu.memory_space<vmem>>, vector<16xf32>,
      %add3A_497 = arith.addf %add3A_492, %get3A_496 : vector<16xf32>
      %get3A_498 = arith.constant 8 : i32
      %get3A_499 = arith.index_cast %get3A_498 : i32 to index
      %get3A_500 = arith.constant 80 : index
      %get3A_501 = tpu.vector_load %arg11[%get3A_499, %get3A_500] {strides = array<i32>} : memref<16x128xf32, #tpu.memory_space<vmem>>, vector<16xf32>,
      %add3A_502 = arith.addf %add3A_497, %get3A_501 : vector<16xf32>
      %get3A_503 = arith.constant 9 : i32
      %get3A_504 = arith.index_cast %get3A_503 : i32 to index
      %get3A_505 = arith.constant 80 : index
      %get3A_506 = tpu.vector_load %arg11[%get3A_504, %get3A_505] {strides = array<i32>} : memref<16x128xf32, #tpu.memory_space<vmem>>, vector<16xf32>,
      %add3A_507 = arith.addf %add3A_502, %get3A_506 : vector<16xf32>
      %get3A_508 = arith.constant 10 : i32
      %get3A_509 = arith.index_cast %get3A_508 : i32 to index
      %get3A_510 = arith.constant 80 : index
      %get3A_511 = tpu.vector_load %arg11[%get3A_509, %get3A_510] {strides = array<i32>} : memref<16x128xf32, #tpu.memory_space<vmem>>, vector<16xf32>,
      %add3A_512 = arith.addf %add3A_507, %get3A_511 : vector<16xf32>
      %get3A_513 = arith.constant 11 : i32
      %get3A_514 = arith.index_cast %get3A_513 : i32 to index
      %get3A_515 = arith.constant 80 : index
      %get3A_516 = tpu.vector_load %arg11[%get3A_514, %get3A_515] {strides = array<i32>} : memref<16x128xf32, #tpu.memory_space<vmem>>, vector<16xf32>,
      %add3A_517 = arith.addf %add3A_512, %get3A_516 : vector<16xf32>
      %get3A_518 = arith.constant 12 : i32
      %get3A_519 = arith.index_cast %get3A_518 : i32 to index
      %get3A_520 = arith.constant 80 : index
      %get3A_521 = tpu.vector_load %arg11[%get3A_519, %get3A_520] {strides = array<i32>} : memref<16x128xf32, #tpu.memory_space<vmem>>, vector<16xf32>,
      %add3A_522 = arith.addf %add3A_517, %get3A_521 : vector<16xf32>
      %get3A_523 = arith.constant 13 : i32
      %get3A_524 = arith.index_cast %get3A_523 : i32 to index
      %get3A_525 = arith.constant 80 : index
      %get3A_526 = tpu.vector_load %arg11[%get3A_524, %get3A_525] {strides = array<i32>} : memref<16x128xf32, #tpu.memory_space<vmem>>, vector<16xf32>,
      %add3A_527 = arith.addf %add3A_522, %get3A_526 : vector<16xf32>
      %get3A_528 = arith.constant 14 : i32
      %get3A_529 = arith.index_cast %get3A_528 : i32 to index
      %get3A_530 = arith.constant 80 : index
      %get3A_531 = tpu.vector_load %arg11[%get3A_529, %get3A_530] {strides = array<i32>} : memref<16x128xf32, #tpu.memory_space<vmem>>, vector<16xf32>,
      %add3A_532 = arith.addf %add3A_527, %get3A_531 : vector<16xf32>
      %get3A_533 = arith.constant 15 : i32
      %get3A_534 = arith.index_cast %get3A_533 : i32 to index
      %get3A_535 = arith.constant 80 : index
      %get3A_536 = tpu.vector_load %arg11[%get3A_534, %get3A_535] {strides = array<i32>} : memref<16x128xf32, #tpu.memory_space<vmem>>, vector<16xf32>,
      %add3A_537 = arith.addf %add3A_532, %get3A_536 : vector<16xf32>
      %swap3A_538 = arith.constant 80 : index
      %swap3A_539 = tpu.vector_load %arg12[%swap3A_538] {strides = array<i32>} : memref<128xf32, #tpu.memory_space<vmem>>, vector<16xf32>,
      tpu.vector_store %arg12[%swap3A_538], %add3A_537 {strides = array<i32>} : memref<128xf32, #tpu.memory_space<vmem>>, vector<16xf32>,
      %get3A_540 = arith.constant 0 : i32
      %get3A_541 = arith.index_cast %get3A_540 : i32 to index
      %get3A_542 = arith.constant 96 : index
      %get3A_543 = tpu.vector_load %arg11[%get3A_541, %get3A_542] {strides = array<i32>} : memref<16x128xf32, #tpu.memory_space<vmem>>, vector<16xf32>,
      %get3A_544 = arith.constant 1 : i32
      %get3A_545 = arith.index_cast %get3A_544 : i32 to index
      %get3A_546 = arith.constant 96 : index
      %get3A_547 = tpu.vector_load %arg11[%get3A_545, %get3A_546] {strides = array<i32>} : memref<16x128xf32, #tpu.memory_space<vmem>>, vector<16xf32>,
      %add3A_548 = arith.addf %get3A_543, %get3A_547 : vector<16xf32>
      %get3A_549 = arith.constant 2 : i32
      %get3A_550 = arith.index_cast %get3A_549 : i32 to index
      %get3A_551 = arith.constant 96 : index
      %get3A_552 = tpu.vector_load %arg11[%get3A_550, %get3A_551] {strides = array<i32>} : memref<16x128xf32, #tpu.memory_space<vmem>>, vector<16xf32>,
      %add3A_553 = arith.addf %add3A_548, %get3A_552 : vector<16xf32>
      %get3A_554 = arith.constant 3 : i32
      %get3A_555 = arith.index_cast %get3A_554 : i32 to index
      %get3A_556 = arith.constant 96 : index
      %get3A_557 = tpu.vector_load %arg11[%get3A_555, %get3A_556] {strides = array<i32>} : memref<16x128xf32, #tpu.memory_space<vmem>>, vector<16xf32>,
      %add3A_558 = arith.addf %add3A_553, %get3A_557 : vector<16xf32>
      %get3A_559 = arith.constant 4 : i32
      %get3A_560 = arith.index_cast %get3A_559 : i32 to index
      %get3A_561 = arith.constant 96 : index
      %get3A_562 = tpu.vector_load %arg11[%get3A_560, %get3A_561] {strides = array<i32>} : memref<16x128xf32, #tpu.memory_space<vmem>>, vector<16xf32>,
      %add3A_563 = arith.addf %add3A_558, %get3A_562 : vector<16xf32>
      %get3A_564 = arith.constant 5 : i32
      %get3A_565 = arith.index_cast %get3A_564 : i32 to index
      %get3A_566 = arith.constant 96 : index
      %get3A_567 = tpu.vector_load %arg11[%get3A_565, %get3A_566] {strides = array<i32>} : memref<16x128xf32, #tpu.memory_space<vmem>>, vector<16xf32>,
      %add3A_568 = arith.addf %add3A_563, %get3A_567 : vector<16xf32>
      %get3A_569 = arith.constant 6 : i32
      %get3A_570 = arith.index_cast %get3A_569 : i32 to index
      %get3A_571 = arith.constant 96 : index
      %get3A_572 = tpu.vector_load %arg11[%get3A_570, %get3A_571] {strides = array<i32>} : memref<16x128xf32, #tpu.memory_space<vmem>>, vector<16xf32>,
      %add3A_573 = arith.addf %add3A_568, %get3A_572 : vector<16xf32>
      %get3A_574 = arith.constant 7 : i32
      %get3A_575 = arith.index_cast %get3A_574 : i32 to index
      %get3A_576 = arith.constant 96 : index
      %get3A_577 = tpu.vector_load %arg11[%get3A_575, %get3A_576] {strides = array<i32>} : memref<16x128xf32, #tpu.memory_space<vmem>>, vector<16xf32>,
      %add3A_578 = arith.addf %add3A_573, %get3A_577 : vector<16xf32>
      %get3A_579 = arith.constant 8 : i32
      %get3A_580 = arith.index_cast %get3A_579 : i32 to index
      %get3A_581 = arith.constant 96 : index
      %get3A_582 = tpu.vector_load %arg11[%get3A_580, %get3A_581] {strides = array<i32>} : memref<16x128xf32, #tpu.memory_space<vmem>>, vector<16xf32>,
      %add3A_583 = arith.addf %add3A_578, %get3A_582 : vector<16xf32>
      %get3A_584 = arith.constant 9 : i32
      %get3A_585 = arith.index_cast %get3A_584 : i32 to index
      %get3A_586 = arith.constant 96 : index
      %get3A_587 = tpu.vector_load %arg11[%get3A_585, %get3A_586] {strides = array<i32>} : memref<16x128xf32, #tpu.memory_space<vmem>>, vector<16xf32>,
      %add3A_588 = arith.addf %add3A_583, %get3A_587 : vector<16xf32>
      %get3A_589 = arith.constant 10 : i32
      %get3A_590 = arith.index_cast %get3A_589 : i32 to index
      %get3A_591 = arith.constant 96 : index
      %get3A_592 = tpu.vector_load %arg11[%get3A_590, %get3A_591] {strides = array<i32>} : memref<16x128xf32, #tpu.memory_space<vmem>>, vector<16xf32>,
      %add3A_593 = arith.addf %add3A_588, %get3A_592 : vector<16xf32>
      %get3A_594 = arith.constant 11 : i32
      %get3A_595 = arith.index_cast %get3A_594 : i32 to index
      %get3A_596 = arith.constant 96 : index
      %get3A_597 = tpu.vector_load %arg11[%get3A_595, %get3A_596] {strides = array<i32>} : memref<16x128xf32, #tpu.memory_space<vmem>>, vector<16xf32>,
      %add3A_598 = arith.addf %add3A_593, %get3A_597 : vector<16xf32>
      %get3A_599 = arith.constant 12 : i32
      %get3A_600 = arith.index_cast %get3A_599 : i32 to index
      %get3A_601 = arith.constant 96 : index
      %get3A_602 = tpu.vector_load %arg11[%get3A_600, %get3A_601] {strides = array<i32>} : memref<16x128xf32, #tpu.memory_space<vmem>>, vector<16xf32>,
      %add3A_603 = arith.addf %add3A_598, %get3A_602 : vector<16xf32>
      %get3A_604 = arith.constant 13 : i32
      %get3A_605 = arith.index_cast %get3A_604 : i32 to index
      %get3A_606 = arith.constant 96 : index
      %get3A_607 = tpu.vector_load %arg11[%get3A_605, %get3A_606] {strides = array<i32>} : memref<16x128xf32, #tpu.memory_space<vmem>>, vector<16xf32>,
      %add3A_608 = arith.addf %add3A_603, %get3A_607 : vector<16xf32>
      %get3A_609 = arith.constant 14 : i32
      %get3A_610 = arith.index_cast %get3A_609 : i32 to index
      %get3A_611 = arith.constant 96 : index
      %get3A_612 = tpu.vector_load %arg11[%get3A_610, %get3A_611] {strides = array<i32>} : memref<16x128xf32, #tpu.memory_space<vmem>>, vector<16xf32>,
      %add3A_613 = arith.addf %add3A_608, %get3A_612 : vector<16xf32>
      %get3A_614 = arith.constant 15 : i32
      %get3A_615 = arith.index_cast %get3A_614 : i32 to index
      %get3A_616 = arith.constant 96 : index
      %get3A_617 = tpu.vector_load %arg11[%get3A_615, %get3A_616] {strides = array<i32>} : memref<16x128xf32, #tpu.memory_space<vmem>>, vector<16xf32>,
      %add3A_618 = arith.addf %add3A_613, %get3A_617 : vector<16xf32>
      %swap3A_619 = arith.constant 96 : index
      %swap3A_620 = tpu.vector_load %arg12[%swap3A_619] {strides = array<i32>} : memref<128xf32, #tpu.memory_space<vmem>>, vector<16xf32>,
      tpu.vector_store %arg12[%swap3A_619], %add3A_618 {strides = array<i32>} : memref<128xf32, #tpu.memory_space<vmem>>, vector<16xf32>,
      %get3A_621 = arith.constant 0 : i32
      %get3A_622 = arith.index_cast %get3A_621 : i32 to index
      %get3A_623 = arith.constant 112 : index
      %get3A_624 = tpu.vector_load %arg11[%get3A_622, %get3A_623] {strides = array<i32>} : memref<16x128xf32, #tpu.memory_space<vmem>>, vector<16xf32>,
      %get3A_625 = arith.constant 1 : i32
      %get3A_626 = arith.index_cast %get3A_625 : i32 to index
      %get3A_627 = arith.constant 112 : index
      %get3A_628 = tpu.vector_load %arg11[%get3A_626, %get3A_627] {strides = array<i32>} : memref<16x128xf32, #tpu.memory_space<vmem>>, vector<16xf32>,
      %add3A_629 = arith.addf %get3A_624, %get3A_628 : vector<16xf32>
      %get3A_630 = arith.constant 2 : i32
      %get3A_631 = arith.index_cast %get3A_630 : i32 to index
      %get3A_632 = arith.constant 112 : index
      %get3A_633 = tpu.vector_load %arg11[%get3A_631, %get3A_632] {strides = array<i32>} : memref<16x128xf32, #tpu.memory_space<vmem>>, vector<16xf32>,
      %add3A_634 = arith.addf %add3A_629, %get3A_633 : vector<16xf32>
      %get3A_635 = arith.constant 3 : i32
      %get3A_636 = arith.index_cast %get3A_635 : i32 to index
      %get3A_637 = arith.constant 112 : index
      %get3A_638 = tpu.vector_load %arg11[%get3A_636, %get3A_637] {strides = array<i32>} : memref<16x128xf32, #tpu.memory_space<vmem>>, vector<16xf32>,
      %add3A_639 = arith.addf %add3A_634, %get3A_638 : vector<16xf32>
      %get3A_640 = arith.constant 4 : i32
      %get3A_641 = arith.index_cast %get3A_640 : i32 to index
      %get3A_642 = arith.constant 112 : index
      %get3A_643 = tpu.vector_load %arg11[%get3A_641, %get3A_642] {strides = array<i32>} : memref<16x128xf32, #tpu.memory_space<vmem>>, vector<16xf32>,
      %add3A_644 = arith.addf %add3A_639, %get3A_643 : vector<16xf32>
      %get3A_645 = arith.constant 5 : i32
      %get3A_646 = arith.index_cast %get3A_645 : i32 to index
      %get3A_647 = arith.constant 112 : index
      %get3A_648 = tpu.vector_load %arg11[%get3A_646, %get3A_647] {strides = array<i32>} : memref<16x128xf32, #tpu.memory_space<vmem>>, vector<16xf32>,
      %add3A_649 = arith.addf %add3A_644, %get3A_648 : vector<16xf32>
      %get3A_650 = arith.constant 6 : i32
      %get3A_651 = arith.index_cast %get3A_650 : i32 to index
      %get3A_652 = arith.constant 112 : index
      %get3A_653 = tpu.vector_load %arg11[%get3A_651, %get3A_652] {strides = array<i32>} : memref<16x128xf32, #tpu.memory_space<vmem>>, vector<16xf32>,
      %add3A_654 = arith.addf %add3A_649, %get3A_653 : vector<16xf32>
      %get3A_655 = arith.constant 7 : i32
      %get3A_656 = arith.index_cast %get3A_655 : i32 to index
      %get3A_657 = arith.constant 112 : index
      %get3A_658 = tpu.vector_load %arg11[%get3A_656, %get3A_657] {strides = array<i32>} : memref<16x128xf32, #tpu.memory_space<vmem>>, vector<16xf32>,
      %add3A_659 = arith.addf %add3A_654, %get3A_658 : vector<16xf32>
      %get3A_660 = arith.constant 8 : i32
      %get3A_661 = arith.index_cast %get3A_660 : i32 to index
      %get3A_662 = arith.constant 112 : index
      %get3A_663 = tpu.vector_load %arg11[%get3A_661, %get3A_662] {strides = array<i32>} : memref<16x128xf32, #tpu.memory_space<vmem>>, vector<16xf32>,
      %add3A_664 = arith.addf %add3A_659, %get3A_663 : vector<16xf32>
      %get3A_665 = arith.constant 9 : i32
      %get3A_666 = arith.index_cast %get3A_665 : i32 to index
      %get3A_667 = arith.constant 112 : index
      %get3A_668 = tpu.vector_load %arg11[%get3A_666, %get3A_667] {strides = array<i32>} : memref<16x128xf32, #tpu.memory_space<vmem>>, vector<16xf32>,
      %add3A_669 = arith.addf %add3A_664, %get3A_668 : vector<16xf32>
      %get3A_670 = arith.constant 10 : i32
      %get3A_671 = arith.index_cast %get3A_670 : i32 to index
      %get3A_672 = arith.constant 112 : index
      %get3A_673 = tpu.vector_load %arg11[%get3A_671, %get3A_672] {strides = array<i32>} : memref<16x128xf32, #tpu.memory_space<vmem>>, vector<16xf32>,
      %add3A_674 = arith.addf %add3A_669, %get3A_673 : vector<16xf32>
      %get3A_675 = arith.constant 11 : i32
      %get3A_676 = arith.index_cast %get3A_675 : i32 to index
      %get3A_677 = arith.constant 112 : index
      %get3A_678 = tpu.vector_load %arg11[%get3A_676, %get3A_677] {strides = array<i32>} : memref<16x128xf32, #tpu.memory_space<vmem>>, vector<16xf32>,
      %add3A_679 = arith.addf %add3A_674, %get3A_678 : vector<16xf32>
      %get3A_680 = arith.constant 12 : i32
      %get3A_681 = arith.index_cast %get3A_680 : i32 to index
      %get3A_682 = arith.constant 112 : index
      %get3A_683 = tpu.vector_load %arg11[%get3A_681, %get3A_682] {strides = array<i32>} : memref<16x128xf32, #tpu.memory_space<vmem>>, vector<16xf32>,
      %add3A_684 = arith.addf %add3A_679, %get3A_683 : vector<16xf32>
      %get3A_685 = arith.constant 13 : i32
      %get3A_686 = arith.index_cast %get3A_685 : i32 to index
      %get3A_687 = arith.constant 112 : index
      %get3A_688 = tpu.vector_load %arg11[%get3A_686, %get3A_687] {strides = array<i32>} : memref<16x128xf32, #tpu.memory_space<vmem>>, vector<16xf32>,
      %add3A_689 = arith.addf %add3A_684, %get3A_688 : vector<16xf32>
      %get3A_690 = arith.constant 14 : i32
      %get3A_691 = arith.index_cast %get3A_690 : i32 to index
      %get3A_692 = arith.constant 112 : index
      %get3A_693 = tpu.vector_load %arg11[%get3A_691, %get3A_692] {strides = array<i32>} : memref<16x128xf32, #tpu.memory_space<vmem>>, vector<16xf32>,
      %add3A_694 = arith.addf %add3A_689, %get3A_693 : vector<16xf32>
      %get3A_695 = arith.constant 15 : i32
      %get3A_696 = arith.index_cast %get3A_695 : i32 to index
      %get3A_697 = arith.constant 112 : index
      %get3A_698 = tpu.vector_load %arg11[%get3A_696, %get3A_697] {strides = array<i32>} : memref<16x128xf32, #tpu.memory_space<vmem>>, vector<16xf32>,
      %add3A_699 = arith.addf %add3A_694, %get3A_698 : vector<16xf32>
      %swap3A_700 = arith.constant 112 : index
      %swap3A_701 = tpu.vector_load %arg12[%swap3A_700] {strides = array<i32>} : memref<128xf32, #tpu.memory_space<vmem>>, vector<16xf32>,
      tpu.vector_store %arg12[%swap3A_700], %add3A_699 {strides = array<i32>} : memref<128xf32, #tpu.memory_space<vmem>>, vector<16xf32>,
      %mul3A_702 = arith.constant 128 : i32
      %mul3A_703 = arith.muli %arg1, %mul3A_702 : i32
      "tpu.region"() ({
        %run_scoped3A = tpu.sem_alloc : memref<!tpu.dma_semaphore, #tpu.memory_space<semaphore_mem>>
        %dma_start3A = tpu.memref_slice %arg18[%mul3A_703] : memref<1024xf32, #tpu.memory_space<vmem_shared>> -> memref<128xf32, #tpu.memory_space<vmem_shared>>
        %dma_start3A_704 = tpu.memref_slice %arg18[%mul3A_703] : memref<1024xf32, #tpu.memory_space<vmem_shared>> -> memref<128xf32, #tpu.memory_space<vmem_shared>>
        tpu.enqueue_dma source(%arg12 : memref<128xf32, #tpu.memory_space<vmem>>) target(%dma_start3A_704 : memref<128xf32, #tpu.memory_space<vmem_shared>>) target_semaphore(%run_scoped3A : memref<!tpu.dma_semaphore, #tpu.memory_space<semaphore_mem>>)
        %dma_wait3A = tpu.memref_slice %arg18[%mul3A_703] : memref<1024xf32, #tpu.memory_space<vmem_shared>> -> memref<128xf32, #tpu.memory_space<vmem_shared>>
        %dma_wait3A_705 = tpu.memref_slice %arg18[%mul3A_703] : memref<1024xf32, #tpu.memory_space<vmem_shared>> -> memref<128xf32, #tpu.memory_space<vmem_shared>>
        tpu.wait_dma2 semaphore(%run_scoped3A : memref<!tpu.dma_semaphore, #tpu.memory_space<semaphore_mem>>) src(%arg12 : memref<128xf32, #tpu.memory_space<vmem>>) dst(%dma_wait3A_705 : memref<128xf32, #tpu.memory_space<vmem_shared>>)
        tpu.yield
      }) : () -> ()
    } else {
    }
    %barrier3A_43 = arith.constant 0 : index
    tpu.barrier barrier_id(%barrier3A_43)
    %lt3A_44 = arith.constant 4 : i32
    %lt3A_45 = arith.cmpi slt, %arg1, %lt3A_44 : i32
    %convert_element_type3A_46 = arith.extui %lt3A_45 : i1 to i32
    %cond3A_47 = arith.constant 0 : i32
    %cond3A_48 = arith.cmpi ne, %convert_element_type3A_46, %cond3A_47 : i32
    scf.if %cond3A_48 {
      %mul3A_54 = arith.constant 128 : i32
      %mul3A_55 = arith.muli %arg1, %mul3A_54 : i32
      "tpu.region"() ({
        %run_scoped3A = tpu.sem_alloc : memref<!tpu.dma_semaphore, #tpu.memory_space<semaphore_mem>>
        %dma_start3A = tpu.memref_slice %arg18[%mul3A_55] : memref<1024xf32, #tpu.memory_space<vmem_shared>> -> memref<128xf32, #tpu.memory_space<vmem_shared>>
        %dma_start3A_183 = tpu.memref_slice %arg18[%mul3A_55] : memref<1024xf32, #tpu.memory_space<vmem_shared>> -> memref<128xf32, #tpu.memory_space<vmem_shared>>
        tpu.enqueue_dma source(%dma_start3A_183 : memref<128xf32, #tpu.memory_space<vmem_shared>>) target(%arg13 : memref<128xf32, #tpu.memory_space<vmem>>) target_semaphore(%run_scoped3A : memref<!tpu.dma_semaphore, #tpu.memory_space<semaphore_mem>>)
        %dma_wait3A = tpu.memref_slice %arg18[%mul3A_55] : memref<1024xf32, #tpu.memory_space<vmem_shared>> -> memref<128xf32, #tpu.memory_space<vmem_shared>>
        %dma_wait3A_184 = tpu.memref_slice %arg18[%mul3A_55] : memref<1024xf32, #tpu.memory_space<vmem_shared>> -> memref<128xf32, #tpu.memory_space<vmem_shared>>
        tpu.wait_dma2 semaphore(%run_scoped3A : memref<!tpu.dma_semaphore, #tpu.memory_space<semaphore_mem>>) src(%dma_wait3A_184 : memref<128xf32, #tpu.memory_space<vmem_shared>>) dst(%arg13 : memref<128xf32, #tpu.memory_space<vmem>>)
        tpu.yield
      }) : () -> ()
      %mul3A_56 = arith.constant 128 : i32
      %mul3A_57 = arith.muli %arg1, %mul3A_56 : i32
      %add3A_58 = arith.constant 512 : i32
      %add3A_59 = arith.addi %add3A_58, %mul3A_57 : i32
      "tpu.region"() ({
        %run_scoped3A = tpu.sem_alloc : memref<!tpu.dma_semaphore, #tpu.memory_space<semaphore_mem>>
        %dma_start3A = tpu.memref_slice %arg18[%add3A_59] : memref<1024xf32, #tpu.memory_space<vmem_shared>> -> memref<128xf32, #tpu.memory_space<vmem_shared>>
        %dma_start3A_183 = tpu.memref_slice %arg18[%add3A_59] : memref<1024xf32, #tpu.memory_space<vmem_shared>> -> memref<128xf32, #tpu.memory_space<vmem_shared>>
        tpu.enqueue_dma source(%dma_start3A_183 : memref<128xf32, #tpu.memory_space<vmem_shared>>) target(%arg14 : memref<128xf32, #tpu.memory_space<vmem>>) target_semaphore(%run_scoped3A : memref<!tpu.dma_semaphore, #tpu.memory_space<semaphore_mem>>)
        %dma_wait3A = tpu.memref_slice %arg18[%add3A_59] : memref<1024xf32, #tpu.memory_space<vmem_shared>> -> memref<128xf32, #tpu.memory_space<vmem_shared>>
        %dma_wait3A_184 = tpu.memref_slice %arg18[%add3A_59] : memref<1024xf32, #tpu.memory_space<vmem_shared>> -> memref<128xf32, #tpu.memory_space<vmem_shared>>
        tpu.wait_dma2 semaphore(%run_scoped3A : memref<!tpu.dma_semaphore, #tpu.memory_space<semaphore_mem>>) src(%dma_wait3A_184 : memref<128xf32, #tpu.memory_space<vmem_shared>>) dst(%arg14 : memref<128xf32, #tpu.memory_space<vmem>>)
        tpu.yield
      }) : () -> ()
      %broadcast_in_dim3A_60 = arith.constant 0.000000e+00 : f32
      %broadcast_in_dim3A_61 = vector.broadcast %broadcast_in_dim3A_60 : f32 to vector<16xf32>
      %get3A = arith.constant 0 : index
      %get3A_62 = tpu.vector_load %arg13[%get3A] {strides = array<i32>} : memref<128xf32, #tpu.memory_space<vmem>>, vector<16xf32>,
      %get3A_63 = arith.constant 0 : index
      %get3A_64 = tpu.vector_load %arg14[%get3A_63] {strides = array<i32>} : memref<128xf32, #tpu.memory_space<vmem>>, vector<16xf32>,
      %mul3A_65 = arith.constant 2.000000e+00 : f32
      %mul3A_66 = vector.broadcast %mul3A_65 : f32 to vector<16xf32>
      %mul3A_67 = arith.mulf %mul3A_66, %get3A_62 : vector<16xf32>
      %add3A_68 = arith.constant 1.000000e+00 : f32
      %add3A_69 = vector.broadcast %add3A_68 : f32 to vector<16xf32>
      %add3A_70 = arith.addf %mul3A_67, %add3A_69 : vector<16xf32>
      %add3A_71 = arith.constant 1.000000e+00 : f32
      %add3A_72 = vector.broadcast %add3A_71 : f32 to vector<16xf32>
      %add3A_73 = arith.addf %get3A_64, %add3A_72 : vector<16xf32>
      %div3A = arith.divf %add3A_70, %add3A_73 : vector<16xf32>
      %add3A_74 = arith.addf %broadcast_in_dim3A_61, %div3A : vector<16xf32>
      %get3A_75 = arith.constant 16 : index
      %get3A_76 = tpu.vector_load %arg13[%get3A_75] {strides = array<i32>} : memref<128xf32, #tpu.memory_space<vmem>>, vector<16xf32>,
      %get3A_77 = arith.constant 16 : index
      %get3A_78 = tpu.vector_load %arg14[%get3A_77] {strides = array<i32>} : memref<128xf32, #tpu.memory_space<vmem>>, vector<16xf32>,
      %mul3A_79 = arith.constant 2.000000e+00 : f32
      %mul3A_80 = vector.broadcast %mul3A_79 : f32 to vector<16xf32>
      %mul3A_81 = arith.mulf %mul3A_80, %get3A_76 : vector<16xf32>
      %add3A_82 = arith.constant 1.000000e+00 : f32
      %add3A_83 = vector.broadcast %add3A_82 : f32 to vector<16xf32>
      %add3A_84 = arith.addf %mul3A_81, %add3A_83 : vector<16xf32>
      %add3A_85 = arith.constant 1.000000e+00 : f32
      %add3A_86 = vector.broadcast %add3A_85 : f32 to vector<16xf32>
      %add3A_87 = arith.addf %get3A_78, %add3A_86 : vector<16xf32>
      %div3A_88 = arith.divf %add3A_84, %add3A_87 : vector<16xf32>
      %add3A_89 = arith.addf %add3A_74, %div3A_88 : vector<16xf32>
      %get3A_90 = arith.constant 32 : index
      %get3A_91 = tpu.vector_load %arg13[%get3A_90] {strides = array<i32>} : memref<128xf32, #tpu.memory_space<vmem>>, vector<16xf32>,
      %get3A_92 = arith.constant 32 : index
      %get3A_93 = tpu.vector_load %arg14[%get3A_92] {strides = array<i32>} : memref<128xf32, #tpu.memory_space<vmem>>, vector<16xf32>,
      %mul3A_94 = arith.constant 2.000000e+00 : f32
      %mul3A_95 = vector.broadcast %mul3A_94 : f32 to vector<16xf32>
      %mul3A_96 = arith.mulf %mul3A_95, %get3A_91 : vector<16xf32>
      %add3A_97 = arith.constant 1.000000e+00 : f32
      %add3A_98 = vector.broadcast %add3A_97 : f32 to vector<16xf32>
      %add3A_99 = arith.addf %mul3A_96, %add3A_98 : vector<16xf32>
      %add3A_100 = arith.constant 1.000000e+00 : f32
      %add3A_101 = vector.broadcast %add3A_100 : f32 to vector<16xf32>
      %add3A_102 = arith.addf %get3A_93, %add3A_101 : vector<16xf32>
      %div3A_103 = arith.divf %add3A_99, %add3A_102 : vector<16xf32>
      %add3A_104 = arith.addf %add3A_89, %div3A_103 : vector<16xf32>
      %get3A_105 = arith.constant 48 : index
      %get3A_106 = tpu.vector_load %arg13[%get3A_105] {strides = array<i32>} : memref<128xf32, #tpu.memory_space<vmem>>, vector<16xf32>,
      %get3A_107 = arith.constant 48 : index
      %get3A_108 = tpu.vector_load %arg14[%get3A_107] {strides = array<i32>} : memref<128xf32, #tpu.memory_space<vmem>>, vector<16xf32>,
      %mul3A_109 = arith.constant 2.000000e+00 : f32
      %mul3A_110 = vector.broadcast %mul3A_109 : f32 to vector<16xf32>
      %mul3A_111 = arith.mulf %mul3A_110, %get3A_106 : vector<16xf32>
      %add3A_112 = arith.constant 1.000000e+00 : f32
      %add3A_113 = vector.broadcast %add3A_112 : f32 to vector<16xf32>
      %add3A_114 = arith.addf %mul3A_111, %add3A_113 : vector<16xf32>
      %add3A_115 = arith.constant 1.000000e+00 : f32
      %add3A_116 = vector.broadcast %add3A_115 : f32 to vector<16xf32>
      %add3A_117 = arith.addf %get3A_108, %add3A_116 : vector<16xf32>
      %div3A_118 = arith.divf %add3A_114, %add3A_117 : vector<16xf32>
      %add3A_119 = arith.addf %add3A_104, %div3A_118 : vector<16xf32>
      %get3A_120 = arith.constant 64 : index
      %get3A_121 = tpu.vector_load %arg13[%get3A_120] {strides = array<i32>} : memref<128xf32, #tpu.memory_space<vmem>>, vector<16xf32>,
      %get3A_122 = arith.constant 64 : index
      %get3A_123 = tpu.vector_load %arg14[%get3A_122] {strides = array<i32>} : memref<128xf32, #tpu.memory_space<vmem>>, vector<16xf32>,
      %mul3A_124 = arith.constant 2.000000e+00 : f32
      %mul3A_125 = vector.broadcast %mul3A_124 : f32 to vector<16xf32>
      %mul3A_126 = arith.mulf %mul3A_125, %get3A_121 : vector<16xf32>
      %add3A_127 = arith.constant 1.000000e+00 : f32
      %add3A_128 = vector.broadcast %add3A_127 : f32 to vector<16xf32>
      %add3A_129 = arith.addf %mul3A_126, %add3A_128 : vector<16xf32>
      %add3A_130 = arith.constant 1.000000e+00 : f32
      %add3A_131 = vector.broadcast %add3A_130 : f32 to vector<16xf32>
      %add3A_132 = arith.addf %get3A_123, %add3A_131 : vector<16xf32>
      %div3A_133 = arith.divf %add3A_129, %add3A_132 : vector<16xf32>
      %add3A_134 = arith.addf %add3A_119, %div3A_133 : vector<16xf32>
      %get3A_135 = arith.constant 80 : index
      %get3A_136 = tpu.vector_load %arg13[%get3A_135] {strides = array<i32>} : memref<128xf32, #tpu.memory_space<vmem>>, vector<16xf32>,
      %get3A_137 = arith.constant 80 : index
      %get3A_138 = tpu.vector_load %arg14[%get3A_137] {strides = array<i32>} : memref<128xf32, #tpu.memory_space<vmem>>, vector<16xf32>,
      %mul3A_139 = arith.constant 2.000000e+00 : f32
      %mul3A_140 = vector.broadcast %mul3A_139 : f32 to vector<16xf32>
      %mul3A_141 = arith.mulf %mul3A_140, %get3A_136 : vector<16xf32>
      %add3A_142 = arith.constant 1.000000e+00 : f32
      %add3A_143 = vector.broadcast %add3A_142 : f32 to vector<16xf32>
      %add3A_144 = arith.addf %mul3A_141, %add3A_143 : vector<16xf32>
      %add3A_145 = arith.constant 1.000000e+00 : f32
      %add3A_146 = vector.broadcast %add3A_145 : f32 to vector<16xf32>
      %add3A_147 = arith.addf %get3A_138, %add3A_146 : vector<16xf32>
      %div3A_148 = arith.divf %add3A_144, %add3A_147 : vector<16xf32>
      %add3A_149 = arith.addf %add3A_134, %div3A_148 : vector<16xf32>
      %get3A_150 = arith.constant 96 : index
      %get3A_151 = tpu.vector_load %arg13[%get3A_150] {strides = array<i32>} : memref<128xf32, #tpu.memory_space<vmem>>, vector<16xf32>,
      %get3A_152 = arith.constant 96 : index
      %get3A_153 = tpu.vector_load %arg14[%get3A_152] {strides = array<i32>} : memref<128xf32, #tpu.memory_space<vmem>>, vector<16xf32>,
      %mul3A_154 = arith.constant 2.000000e+00 : f32
      %mul3A_155 = vector.broadcast %mul3A_154 : f32 to vector<16xf32>
      %mul3A_156 = arith.mulf %mul3A_155, %get3A_151 : vector<16xf32>
      %add3A_157 = arith.constant 1.000000e+00 : f32
      %add3A_158 = vector.broadcast %add3A_157 : f32 to vector<16xf32>
      %add3A_159 = arith.addf %mul3A_156, %add3A_158 : vector<16xf32>
      %add3A_160 = arith.constant 1.000000e+00 : f32
      %add3A_161 = vector.broadcast %add3A_160 : f32 to vector<16xf32>
      %add3A_162 = arith.addf %get3A_153, %add3A_161 : vector<16xf32>
      %div3A_163 = arith.divf %add3A_159, %add3A_162 : vector<16xf32>
      %add3A_164 = arith.addf %add3A_149, %div3A_163 : vector<16xf32>
      %get3A_165 = arith.constant 112 : index
      %get3A_166 = tpu.vector_load %arg13[%get3A_165] {strides = array<i32>} : memref<128xf32, #tpu.memory_space<vmem>>, vector<16xf32>,
      %get3A_167 = arith.constant 112 : index
      %get3A_168 = tpu.vector_load %arg14[%get3A_167] {strides = array<i32>} : memref<128xf32, #tpu.memory_space<vmem>>, vector<16xf32>,
      %mul3A_169 = arith.constant 2.000000e+00 : f32
      %mul3A_170 = vector.broadcast %mul3A_169 : f32 to vector<16xf32>
      %mul3A_171 = arith.mulf %mul3A_170, %get3A_166 : vector<16xf32>
      %add3A_172 = arith.constant 1.000000e+00 : f32
      %add3A_173 = vector.broadcast %add3A_172 : f32 to vector<16xf32>
      %add3A_174 = arith.addf %mul3A_171, %add3A_173 : vector<16xf32>
      %add3A_175 = arith.constant 1.000000e+00 : f32
      %add3A_176 = vector.broadcast %add3A_175 : f32 to vector<16xf32>
      %add3A_177 = arith.addf %get3A_168, %add3A_176 : vector<16xf32>
      %div3A_178 = arith.divf %add3A_174, %add3A_177 : vector<16xf32>
      %add3A_179 = arith.addf %add3A_164, %div3A_178 : vector<16xf32>
      %swap3A = arith.constant 0 : index
      %swap3A_180 = tpu.vector_load %arg16[%swap3A] {strides = array<i32>} : memref<16xf32, #tpu.memory_space<vmem>>, vector<16xf32>,
      tpu.vector_store %arg16[%swap3A], %add3A_179 {strides = array<i32>} : memref<16xf32, #tpu.memory_space<vmem>>, vector<16xf32>,
      %mul3A_181 = arith.constant 16 : i32
      %mul3A_182 = arith.muli %arg1, %mul3A_181 : i32
      "tpu.region"() ({
        %run_scoped3A = tpu.sem_alloc : memref<!tpu.dma_semaphore, #tpu.memory_space<semaphore_mem>>
        %dma_start3A = tpu.memref_slice %arg19[%mul3A_182] : memref<64xf32, #tpu.memory_space<vmem_shared>> -> memref<16xf32, #tpu.memory_space<vmem_shared>>
        %dma_start3A_183 = tpu.memref_slice %arg19[%mul3A_182] : memref<64xf32, #tpu.memory_space<vmem_shared>> -> memref<16xf32, #tpu.memory_space<vmem_shared>>
        tpu.enqueue_dma source(%arg16 : memref<16xf32, #tpu.memory_space<vmem>>) target(%dma_start3A_183 : memref<16xf32, #tpu.memory_space<vmem_shared>>) target_semaphore(%run_scoped3A : memref<!tpu.dma_semaphore, #tpu.memory_space<semaphore_mem>>)
        %dma_wait3A = tpu.memref_slice %arg19[%mul3A_182] : memref<64xf32, #tpu.memory_space<vmem_shared>> -> memref<16xf32, #tpu.memory_space<vmem_shared>>
        %dma_wait3A_184 = tpu.memref_slice %arg19[%mul3A_182] : memref<64xf32, #tpu.memory_space<vmem_shared>> -> memref<16xf32, #tpu.memory_space<vmem_shared>>
        tpu.wait_dma2 semaphore(%run_scoped3A : memref<!tpu.dma_semaphore, #tpu.memory_space<semaphore_mem>>) src(%arg16 : memref<16xf32, #tpu.memory_space<vmem>>) dst(%dma_wait3A_184 : memref<16xf32, #tpu.memory_space<vmem_shared>>)
        tpu.yield
      }) : () -> ()
    } else {
    }
    %barrier3A_49 = arith.constant 0 : index
    tpu.barrier barrier_id(%barrier3A_49)
    %eq3A = arith.constant 0 : i32
    %eq3A_50 = arith.cmpi eq, %arg1, %eq3A : i32
    %convert_element_type3A_51 = arith.extui %eq3A_50 : i1 to i32
    %cond3A_52 = arith.constant 0 : i32
    %cond3A_53 = arith.cmpi ne, %convert_element_type3A_51, %cond3A_52 : i32
    scf.if %cond3A_53 {
      "tpu.region"() ({
        %run_scoped3A = tpu.sem_alloc : memref<!tpu.dma_semaphore, #tpu.memory_space<semaphore_mem>>
        tpu.enqueue_dma source(%arg19 : memref<64xf32, #tpu.memory_space<vmem_shared>>) target(%arg15 : memref<64xf32, #tpu.memory_space<vmem>>) target_semaphore(%run_scoped3A : memref<!tpu.dma_semaphore, #tpu.memory_space<semaphore_mem>>)
        tpu.wait_dma2 semaphore(%run_scoped3A : memref<!tpu.dma_semaphore, #tpu.memory_space<semaphore_mem>>) src(%arg19 : memref<64xf32, #tpu.memory_space<vmem_shared>>) dst(%arg15 : memref<64xf32, #tpu.memory_space<vmem>>)
        tpu.yield
      }) : () -> ()
      %get3A = arith.constant 0 : index
      %get3A_54 = tpu.vector_load %arg15[%get3A] {strides = array<i32>} : memref<64xf32, #tpu.memory_space<vmem>>, vector<16xf32>,
      %get3A_55 = arith.constant 16 : index
      %get3A_56 = tpu.vector_load %arg15[%get3A_55] {strides = array<i32>} : memref<64xf32, #tpu.memory_space<vmem>>, vector<16xf32>,
      %add3A_57 = arith.addf %get3A_54, %get3A_56 : vector<16xf32>
      %get3A_58 = arith.constant 32 : index
      %get3A_59 = tpu.vector_load %arg15[%get3A_58] {strides = array<i32>} : memref<64xf32, #tpu.memory_space<vmem>>, vector<16xf32>,
      %add3A_60 = arith.addf %add3A_57, %get3A_59 : vector<16xf32>
      %get3A_61 = arith.constant 48 : index
      %get3A_62 = tpu.vector_load %arg15[%get3A_61] {strides = array<i32>} : memref<64xf32, #tpu.memory_space<vmem>>, vector<16xf32>,
      %add3A_63 = arith.addf %add3A_60, %get3A_62 : vector<16xf32>
      %reduce_sum3A = arith.constant true
      %reduce_sum3A_64 = vector.broadcast %reduce_sum3A : i1 to vector<16xi1>
      %reduce_sum3A_65 = tpu.scan <sum>, %add3A_63 masked %reduce_sum3A_64 : vector<16xf32>, vector<16xi1> -> vector<16xf32>
      %reduce_sum3A_66 = vector.extract %reduce_sum3A_65[15] : f32 from vector<16xf32>
      %sub3A = arith.constant 5.120000e+02 : f32
      %sub3A_67 = arith.subf %sub3A, %reduce_sum3A_66 : f32
      %broadcast_in_dim3A_68 = vector.broadcast %sub3A_67 : f32 to vector<16xf32>
      %swap3A = arith.constant 0 : index
      %swap3A_69 = tpu.vector_load %arg16[%swap3A] {strides = array<i32>} : memref<16xf32, #tpu.memory_space<vmem>>, vector<16xf32>,
      tpu.vector_store %arg16[%swap3A], %broadcast_in_dim3A_68 {strides = array<i32>} : memref<16xf32, #tpu.memory_space<vmem>>, vector<16xf32>,
      "tpu.region"() ({
        %run_scoped3A = tpu.sem_alloc : memref<!tpu.dma_semaphore, #tpu.memory_space<semaphore_mem>>
        tpu.enqueue_dma source(%arg16 : memref<16xf32, #tpu.memory_space<vmem>>) target(%arg5 : memref<16xf32, #tpu.memory_space<hbm>>) target_semaphore(%run_scoped3A : memref<!tpu.dma_semaphore, #tpu.memory_space<semaphore_mem>>)
        tpu.wait_dma2 semaphore(%run_scoped3A : memref<!tpu.dma_semaphore, #tpu.memory_space<semaphore_mem>>) src(%arg16 : memref<16xf32, #tpu.memory_space<vmem>>) dst(%arg5 : memref<16xf32, #tpu.memory_space<hbm>>)
        tpu.yield
      }) : () -> ()
    } else {
    }
    return
  }
}

</mosaic_0001>

<sc_bundles>
// kernel: kernel.3.cloned.1.call-start
scs
__scs_entry_jumppad:
0x0: {  	(pc) =	sbr.rel $0x88, $3  }
0x1: {  	(tag) =	ssettag $0x0;
	lr =	simm.s32 $0x1  }
0x2: {  	[smem:$0x3F9E] =	sst lr;
	_ =	strace $0xD0000000  }
0x3: {  	_ = 	snop  }
0x4: {  	_ = 	snop  }
0x5: {  	_ = 	snop  }
0x6: {  	_ = 	snop  }
0x7: {  	_ = 	snop  }
__scs_overlays_trampoline_lowered:
0x8: {  	[smem:$0x3FAD] =	sst s0  }
0x9: {  	[smem:$0x3FAE] =	sst s1  }
0xa: {  	[smem:$0x3FAF] =	sst s2  }
0xb: {  	[smem:$0x3FB0] =	sst s3  }
0xc: {  	[smem:$0x3FB1] =	sst s4  }
0xd: {  	[smem:$0x3FB2] =	sst s5  }
0xe: {  	[smem:$0x3FB3] =	sst s6  }
0xf: {  	[smem:$0x3FB4] =	sst s7  }
0x10: {  	[smem:$0x3FB5] =	sst s8  }
0x11: {  	[smem:$0x3FB6] =	sst s9;
	s0 =	simm.s32 @!p0 $0x0  }
0x12: {  	s1 =	sld [smem:$0x3F9C];
	s0 =	simm.s32 @p0 $0x1  }
0x13: {  	[smem:$0x3FB7] =	sst s0;
	s0 =	simm.s32 @!p1 $0x0  }
0x14: {  	s2 =	sld [smem:$0x3F9B];
	s0 =	simm.s32 @p1 $0x1  }
0x15: {  	[smem:$0x3FB8] =	sst s0;
	s0 =	simm.s32 @!p2 $0x0  }
0x16: {  	s3 =	sld [smem:$0x3FDB];
	s0 =	simm.s32 @p2 $0x1  }
0x17: {  	s4 =	simm.s32 $0x1BF5;
	[smem:$0x3FBA] =	sst s0  }
0x18: {  	s0 =	sld [smem:$0x3F9D];
	_ =	swait.ge [sflag:s4], $0x0  }
0x19: {  	s7 =	sld [smem:$0x3F9E]  }
0x1a: {  	s8 =	sadd.s32 $0xFFFFE003, lr  }
0x1b: {  	s9 =	sadd.s32 $0xFFFFFEF7, lr;
	s5 =	simm.s32 $0xFFFFFFFF;
	p2 =	slt.u32 s8, $0xFFFFF086  }
0x1c: {  	p1 =	slt.u32 s9, $0xF7A;
	s5 =	simm.s32 @!p2 $0x0  }
0x1d: {  	s5 =	simm.s32 @p1 $0x1;
	p0 =	seq.s32 s7, s2  }
0x1e: {  	s7 =	smul.u32 @!p0 $0xF7A, s2;
	p2 =	seq.s32 @!p0 s5, $0x0  }
0x1f: {  	s9 =	smul.u32 $0xF7A, s1;
	s8 =	simm.s32 @!p0 $0x1BF5;
	p2 =	por !p2, p0  }
0x20: {  	[sflag:s8] =	ssyncset.s32 @!p0 $0xFFFFF086;
	s6 =	sadd.s32 @!p0 s3, s7;
	s7 =	simm.s32 @!p0 $0x108  }
0x21: {  	s3 =	sadd.s32 s3, s9;
	s6 =	sadd.s32 @!p0 $0x88, s6;
	s7 =	simm.s32 @p2 $0x1082  }
0x22: {  	[simem:s7], [sflag:s8] =	dma.local @!p0 [hbm:s6], $0xF7A  }
0x23: {  	s9 =	sor.u32 $0xD0000000, s2;
	s6 =	simm.s32 $0x108;
	_ =	swait.ge @!p0 [sflag:s8], $0x0  }
0x24: {  	s3 =	sadd.s32 $0x88, s3;
	s6 =	simm.s32 @!p1 $0x1082;
	[sflag:s4] =	ssyncset.s32 $0xFFFFF086  }
0x25: {  	[simem:s6], [sflag:s4] =	dma.local [hbm:s3], $0xF7A  }
0x26: {  	[smem:$0x3F9E] =	sst s1;
	(tag) =	ssettag s2;
	_ =	strace s9  }
0x27: {  	s1 =	sld [smem:$0x3FAE]  }
0x28: {  	s2 =	sld [smem:$0x3FAF]  }
0x29: {  	s4 =	sld [smem:$0x3FB1]  }
0x2a: {  	p0 =	seq.s32 s5, $0x0;
	s5 =	sld [smem:$0x3FB2]  }
0x2b: {  	s6 =	sld [smem:$0x3FB3]  }
0x2c: {  	s7 =	sld [smem:$0x3FB4]  }
0x2d: {  	s3 =	simm.s32 $0x108;
	s8 =	sld [smem:$0x3FB5]  }
0x2e: {  	s3 =	simm.s32 @!p0 $0x1082;
	s9 =	sld [smem:$0x3FB6]  }
0x2f: {  	lr =	sadd.s32 s0, s3;
	s0 =	sld [smem:$0x3FAD]  }
0x30: {  	s3 =	sld [smem:$0x3FB0]  }
0x31: {  	[smem:$0x3FB9] =	sst s10  }
0x32: {  	s10 =	sld [smem:$0x3FB7];
	_ =	sdelay $0x3  }
0x33: {  	p0 =	seq.s32 s10, $0x1;
	s10 =	sld [smem:$0x3FB9];
	_ =	sdelay $0x3  }
0x34: {  	[smem:$0x3FB9] =	sst s10  }
0x35: {  	s10 =	sld [smem:$0x3FB8];
	_ =	sdelay $0x3  }
0x36: {  	p1 =	seq.s32 s10, $0x1;
	s10 =	sld [smem:$0x3FB9];
	_ =	sdelay $0x3  }
0x37: {  	[smem:$0x3FB9] =	sst s10  }
0x38: {  	s10 =	sld [smem:$0x3FBA]  }
0x39: {  	_ = 	snop;
	(pc) =	sbr.ind lr, $3  }
0x3a: {  	_ = 	snop  }
0x3b: {  	_ = 	snop  }
0x3c: {  	p2 =	seq.s32 s10, $0x1;
	s10 =	sld [smem:$0x3FB9]  }
0x3d: {  	_ =	shalt  }
0x3e: {  	_ =	shalt  }
0x3f: {  	_ =	shalt  }
0x40: {  	_ =	shalt  }
0x41: {  	_ =	shalt  }
0x42: {  	_ =	shalt  }
0x43: {  	_ =	shalt  }
0x44: {  	_ =	shalt  }
0x45: {  	_ =	shalt  }
0x46: {  	_ =	shalt  }
0x47: {  	_ =	shalt  }
0x48: {  	_ =	shalt  }
0x49: {  	_ =	shalt  }
0x4a: {  	_ =	shalt  }
0x4b: {  	_ =	shalt  }
0x4c: {  	_ =	shalt  }
0x4d: {  	_ =	shalt  }
0x4e: {  	_ =	shalt  }
0x4f: {  	_ =	shalt  }
0x50: {  	_ =	shalt  }
0x51: {  	_ =	shalt  }
0x52: {  	_ =	shalt  }
0x53: {  	_ =	shalt  }
0x54: {  	_ =	shalt  }
0x55: {  	_ =	shalt  }
0x56: {  	_ =	shalt  }
0x57: {  	_ =	shalt  }
0x58: {  	_ =	shalt  }
0x59: {  	_ =	shalt  }
0x5a: {  	_ =	shalt  }
0x5b: {  	_ =	shalt  }
0x5c: {  	_ =	shalt  }
0x5d: {  	_ =	shalt  }
0x5e: {  	_ =	shalt  }
0x5f: {  	_ =	shalt  }
0x60: {  	_ =	shalt  }
0x61: {  	_ =	shalt  }
0x62: {  	_ =	shalt  }
0x63: {  	_ =	shalt  }
0x64: {  	_ =	shalt  }
0x65: {  	_ =	shalt  }
0x66: {  	_ =	shalt  }
0x67: {  	_ =	shalt  }
0x68: {  	_ =	shalt  }
0x69: {  	_ =	shalt  }
0x6a: {  	_ =	shalt  }
0x6b: {  	_ =	shalt  }
0x6c: {  	_ =	shalt  }
0x6d: {  	_ =	shalt  }
0x6e: {  	_ =	shalt  }
0x6f: {  	_ =	shalt  }
0x70: {  	_ =	shalt  }
0x71: {  	_ =	shalt  }
0x72: {  	_ =	shalt  }
0x73: {  	_ =	shalt  }
0x74: {  	_ =	shalt  }
0x75: {  	_ =	shalt  }
0x76: {  	_ =	shalt  }
0x77: {  	_ =	shalt  }
0x78: {  	_ =	shalt  }
0x79: {  	_ =	shalt  }
0x7a: {  	_ =	shalt  }
0x7b: {  	_ =	shalt  }
0x7c: {  	_ =	shalt  }
0x7d: {  	_ =	shalt  }
0x7e: {  	_ =	shalt  }
0x7f: {  	_ =	shalt  }
0x80: {  	_ =	shalt  }
0x81: {  	_ =	shalt  }
0x82: {  	_ =	shalt  }
0x83: {  	_ =	shalt  }
0x84: {  	_ =	shalt  }
0x85: {  	_ =	shalt  }
0x86: {  	_ =	shalt  }
0x87: {  	_ =	shalt  }
.Lfunc_end0:
.L_simem_size_0:
called_computation_lowered:
.L_overlay_start_0:
0x88: {  	s0 =	sld [smem:$0x3FD9]  }
0x89: {  	s1 =	sld [smem:$0x3FFE];
	_ =	sdelay $0x3  }
0x8a: {  	s0 =	sadd.s32 s1, s0  }
0x8b: {  	[smem:$0x3FC5] =	sst s0  }
0x8c: {  	_ = 	snop  }
0x8d: {  	s0 =	sld [smem:$0x3FC9]  }
0x8e: {  	s17 =	sld [smem:$0x3FC8]  }
0x8f: {  	s2 =	sld [smem:$0x3FC7]  }
0x90: {  	s3 =	sld [smem:$0x3FD0];
	(tm) =	ssettm $0x1  }
0x91: {  	s4 =	sld [smem:$0x3FFB];
	_ =	sdelay $0x3  }
0x92: {  	_ =	strace s4  }
0x93: {  	s4 =	sld [smem:$0x3FFC];
	_ =	sdelay $0x3  }
0x94: {  	_ =	strace s4  }
0x95: {  	s4 =	sld [smem:$0x3FFD];
	_ =	sdelay $0x3  }
0x96: {  	_ =	strace s4  }
0x97: {  	_ =	strace $0x8FFFFFFF  }
0x98: {  	s18 =	sld [smem:$0x3FDB];
	_ =	sdelay $0x1  }
0x99: {  	s5 =	simm.s32 $_scs_section_size  }
0x9a: {  	s6 =	simm.s32 $_size__tile_overlayer_lowered;
	s7 =	simm.s32 $_tile_overlayer_lowered  }
0x9b: {  	s21 =	simm.s32 $0x1BFF;
	s20 =	sshll.u32 s7, $0x1;
	s4 =	sadd.s32 s5, s18  }
0x9c: {  	s8 =	simm.s32 $0x0;
	s19 =	sshll.u32 s6, $0x1;
	s6 =	sadd.s32 s20, s4  }
0x9d: {  	[timem:s8], [sflag:s21] =	dma.local [hbm:s6], s19  }
0x9e: {  	_ =	swait.ge [sflag:s21], s19  }
0x9f: {  	s5 =	ssub.s32 $0x0, s19;
	[sflag:s21] =	ssyncset.done $0x0  }
0xa0: {  	[sflag:s21] =	ssyncadd.s32 s5;
	_ =	sdelay $0x1  }
0xa1: {  	s22 =	simm.s32 $0x1B8B  }
0xa2: {  	_ =	swait.ge [sflag:s22], $0x1  }
0xa3: {  	[sflag:s22] =	ssyncset.done $0x0  }
0xa4: {  	s23 =	simm.s32 $0x1B8E;
	[sflag:s22] =	ssyncadd.s32 $0xFFFFFFFF  }
0xa5: {  	s24 =	simm.s32 $execute0_lowered;
	[smem:$0x3FD2] =	sst s23  }
0xa6: {  	s5 =	sshll.u32 s24, $0x1;
	_ =	strace $0x80000046;
	[dreg:$0x1] =	wrdreg $0xFFFFFFFF  }
0xa7: {  	s25 =	simm.s32 $_size_execute0_lowered;
	s4 =	sadd.s32 s4, s5;
	[dreg:$0x0] =	wrdreg $0x0  }
0xa8: {  	s5 =	sshll.u32 s25, $0x1;
	[dreg:$0x2] =	wrdreg s4  }
0xa9: {  	[dreg:$0x3] =	wrdreg s5  }
0xaa: {  	[dreg:$0x4] =	wrdreg $0xC0  }
0xab: {  	_ =	task [dreg:s8], $0x5FFFF  }
0xac: {  	[dreg:$0x1] =	wrdreg $0xFFFFFFFF  }
0xad: {  	[dreg:$0x0] =	wrdreg $0x60  }
0xae: {  	[dreg:$0x2] =	wrdreg s0  }
0xaf: {  	[dreg:$0x3] =	wrdreg s17  }
0xb0: {  	[dreg:$0x4] =	wrdreg s2  }
0xb1: {  	[dreg:$0x5] =	wrdreg s3  }
0xb2: {  	[dreg:$0x6] =	wrdreg $0x99000  }
0xb3: {  	[dreg:$0x7] =	wrdreg $0x9D000  }
0xb4: {  	[dreg:$0x8] =	wrdreg $0x9D400  }
0xb5: {  	[dreg:$0x9] =	wrdreg $0x9  }
0xb6: {  	_ =	task.clear_ibuf [dreg:s8], $0xAFFFF;
	_ =	strace $0x90000046  }
0xb7: {  	s26 =	simm.s32 $0x9;
	_ =	strace $0x80000048  }
0xb8: {  	_ =	swait.ge [sflag:s26], $0x1  }
0xb9: {  	[sflag:s26] =	ssyncadd.s32 $0xFFFFFFFF  }
0xba: {  	_ =	strace $0x90000048  }
0xbb: {  	_ =	sfence  }
0xbc: {  	s28 =	sld [smem:$0x0];
	_ =	sdelay $0x1  }
0xbd: {  	s29 =	srdreg.scid  }
0xbe: {  	s30 =	sshll.u32 s29, $0xD;
	s31 =	sshrl.u32 s29, $0x2  }
0xbf: {  	s1 =	sand.u32 $0x1, s29;
	s2 =	sand.u32 $0x4000, s30;
	s0 =	sadd.s32 s31, s28  }
0xc0: {  	s1 =	sor.u32 s2, s1;
	s0 =	sshll.u32 s0, $0x11  }
0xc1: {  	s0 =	sor.u32 s0, s1  }
0xc2: {  	s0 =	sadd.s32 $0x8F2B, s0  }
0xc3: {  	[sflag:s0] =	ssyncadd.remote.s32 $0x1  }
0xc4: {  	_ =	sfence.sel $0xFFFF  }
0xc5: {  	[dreg:$0x0] =	wrdreg $0xFFFFFFFF;
	(pc) =	sbr.abs _section_cstart, $3  }
0xc6: {  	[dreg:$0x1] =	wrdreg $0xFFFFFFFF  }
0xc7: {  	_ =	task.clear_ibuf [dreg:s8], $0x2FFFF;
	_ =	strace $0x9FFFFFFF  }
0xc8: {  	(tm) =	ssettm $0x7FFFFFFF  }
0xc9: {  	_ =	shalt  }
tec
execute0_lowered:
.L_overlay_start_1:
0x0: {  	(tag) =	ssettag $0x1  }
0x1: {  	s4 =	rddreg [dreg:$0x0]  }
0x2: {  	s5 =	rddreg [dreg:$0x1]  }
0x3: {  	s6 =	rddreg [dreg:$0x2]  }
0x4: {  	s2 =	rddreg [dreg:$0x3]  }
0x5: {  	s7 =	rddreg [dreg:$0x4]  }
0x6: {  	s9 =	rddreg [dreg:$0x5]  }
0x7: {  	s0 =	stileid.u32;
	s3 =	rddreg [dreg:$0x6]  }
0x8: {  	s11 =	simm.s32 $0x0;
	s8 =	smul.u32 $0x1860, s0;
	s1 =	smin.u32 s0, $0xA  }
0x9: {  	[smem:$0x7FF] =	sst s11;
	s10 =	sshll.u32 s1, $0x4  }
0xa: {  	p0 =	sgt.u32 s0, $0x9;
	s26 =	sshll.u32 s0, $0xA;
	s8 =	sadd.s32 s8, s10  }
0xb: {  	s29 =	sshll.u32 s0, $0x7;
	s1 =	rddreg [dreg:$0x7];
	s8 =	sshrl.u32 s8, $0x3  }
0xc: {  	_ =	strace $0x80000047;
	s10 =	simm.s32 @p0 $0x0;
	s4 =	sadd.s32 s4, s8  }
0xd: {  	[tilespmem:s10], [sflag:$0x1] =	stream.linear.gather @p0 [hbm4b:s4+s10], $0x1860, $0x38;
	[tilespmem:$0x9D48] =	vst v63  }
0xe: {  	s31 =	sshll.u32 s0, $0x4;
	s11 =	simm.s32 @p0 $0x1880;
	s5 =	sadd.s32 s5, s8  }
0xf: {  	[tilespmem:s11], [sflag:$0x2] =	stream.linear.gather @p0 [hbm4b:s5+s10], $0x1860, $0x38;
	[tilespmem:$0x9D48] =	vst v63  }
0x10: {  	s28 =	sand.u32 $0x2000, s26;
	s12 =	sadd.s32 s6, s8;
	s6 =	simm.s32 @p0 $0x3100  }
0x11: {  	[tilespmem:s6], [sflag:$0x3] =	stream.linear.gather @p0 [hbm4b:s12+s10], $0x1860, $0x38;
	[tilespmem:$0x9D48] =	vst v63  }
0x12: {  	s13 =	simm.s32 @!p0 $0x0;
	s30 =	sand.u32 $0x380, s29;
	s8 =	simm.s32 @!p0 $0x1880  }
0x13: {  	[tilespmem:s13], [sflag:$0x1] =	stream.linear.gather @!p0 [hbm4b:s4+s13], $0x1870, $0x38;
	[tilespmem:$0x9D48] =	vst v63  }
0x14: {  	s6 =	sadd.s32 s28, s7;
	s7 =	sadd.s32 s26, s7;
	s10 =	simm.s32 $0x400  }
0x15: {  	[tilespmem:s8], [sflag:$0x2] =	stream.linear.gather @!p0 [hbm4b:s5+s13], $0x1870, $0x38;
	[tilespmem:$0x9D48] =	vst v63  }
0x16: {  	s4 =	simm.s32 @!p0 $0x3100;
	s8 =	sadd.s32 s30, s6;
	s6 =	sadd.s32 s29, s9  }
0x17: {  	[tilespmem:s4], [sflag:$0x3] =	stream.linear.gather @!p0 [hbm4b:s12+s13], $0x1870, $0x38;
	[tilespmem:$0x9D48] =	vst v63  }
0x18: {  	v0 =	vimm.f32 $0.0e+00;
	s9 =	simm.s32 $0x0;
	s5 =	sadd.s32 $0x200, s6;
	s4 =	sadd.s32 s31, s3  }
.LBB2_1:
0x19: {  	p1 =	sne.s32 s10, $0x10000;
	[tilespmem:s9+$0x4A70] =	vst v0  }
0x1a: {  	[tilespmem:s9+$0x4980] =	vst v0  }
0x1b: {  	[tilespmem:s9+$0x4990] =	vst v0  }
0x1c: {  	[tilespmem:s9+$0x49A0] =	vst v0  }
0x1d: {  	[tilespmem:s9+$0x49B0] =	vst v0  }
0x1e: {  	[tilespmem:s9+$0x49C0] =	vst v0  }
0x1f: {  	[tilespmem:s9+$0x49D0] =	vst v0  }
0x20: {  	[tilespmem:s9+$0x49E0] =	vst v0  }
0x21: {  	[tilespmem:s9+$0x49F0] =	vst v0  }
0x22: {  	[tilespmem:s9+$0x4A00] =	vst v0  }
0x23: {  	[tilespmem:s9+$0x4A10] =	vst v0  }
.Ltmp0:
0x24: {  	[tilespmem:s9+$0x4A20] =	vst v0;
	(pc) =	sbr.rel @p1 .LBB2_1-.Ltmp0, $4  }
0x25: {  	[tilespmem:s9+$0x4A30] =	vst v0  }
0x26: {  	[tilespmem:s9+$0x4A40] =	vst v0  }
0x27: {  	[tilespmem:s9+$0x4A50] =	vst v0  }
0x28: {  	[tilespmem:s9+$0x4A60] =	vst v0;
	s9 =	sshra.s32 s10, $0x2;
	s10 =	sadd.s32 $0x400, s10  }
0x29: {  	[tilespmem:s9+$0x4A70] =	vst v0  }
0x2a: {  	[tilespmem:s9+$0x4980] =	vst v0  }
0x2b: {  	[tilespmem:s9+$0x4990] =	vst v0  }
0x2c: {  	[tilespmem:s9+$0x49A0] =	vst v0  }
0x2d: {  	[tilespmem:s9+$0x49B0] =	vst v0  }
0x2e: {  	[tilespmem:s9+$0x49C0] =	vst v0  }
0x2f: {  	[tilespmem:s9+$0x49D0] =	vst v0  }
0x30: {  	[tilespmem:s9+$0x49E0] =	vst v0  }
0x31: {  	[tilespmem:s9+$0x49F0] =	vst v0  }
0x32: {  	[tilespmem:s9+$0x4A00] =	vst v0  }
0x33: {  	[tilespmem:s9+$0x4A10] =	vst v0  }
0x34: {  	[tilespmem:s9+$0x4A20] =	vst v0  }
0x35: {  	[tilespmem:s9+$0x4A30] =	vst v0  }
0x36: {  	[tilespmem:s9+$0x4A40] =	vst v0  }
0x37: {  	[tilespmem:s9+$0x4A50] =	vst v0  }
0x38: {  	[tilespmem:s9+$0x4A60] =	vst v0;
	s9 =	simm.s32 @p0 $0x1  }
0x39: {  	_ =	swait.ge @p0 [sflag:s9], $0x1860  }
0x3a: {  	[sflag:s9] =	ssyncset.done @p0 $0x0  }
0x3b: {  	[sflag:s9] =	ssyncadd.s32 @p0 $0xFFFFE7A0;
	s9 =	simm.s32 @p0 $0x2  }
0x3c: {  	_ =	swait.ge @p0 [sflag:s9], $0x1860  }
0x3d: {  	[sflag:s9] =	ssyncset.done @p0 $0x0  }
0x3e: {  	[sflag:s9] =	ssyncadd.s32 @p0 $0xFFFFE7A0;
	s9 =	simm.s32 @p0 $0x3  }
0x3f: {  	_ =	swait.ge @p0 [sflag:s9], $0x1860  }
0x40: {  	[sflag:s9] =	ssyncset.done @p0 $0x0  }
0x41: {  	[sflag:s9] =	ssyncadd.s32 @p0 $0xFFFFE7A0;
	s9 =	simm.s32 @!p0 $0x1  }
0x42: {  	_ =	swait.ge @!p0 [sflag:s9], $0x1870  }
0x43: {  	[sflag:s9] =	ssyncset.done @!p0 $0x0  }
0x44: {  	[sflag:s9] =	ssyncadd.s32 @!p0 $0xFFFFE790;
	s9 =	simm.s32 @!p0 $0x2  }
0x45: {  	_ =	swait.ge @!p0 [sflag:s9], $0x1870  }
0x46: {  	[sflag:s9] =	ssyncset.done @!p0 $0x0  }
0x47: {  	[sflag:s9] =	ssyncadd.s32 @!p0 $0xFFFFE790;
	s9 =	simm.s32 @!p0 $0x3  }
0x48: {  	_ =	swait.ge @!p0 [sflag:s9], $0x1870  }
0x49: {  	[sflag:s9] =	ssyncset.done @!p0 $0x0  }
0x4a: {  	s12 =	simm.s32 $0x3120;
	[sflag:s9] =	ssyncadd.s32 @!p0 $0xFFFFE790  }
0x4b: {  	v2 =	vld [tilespmem:s12+$0x20]  }
0x4c: {  	s9 =	simm.s32 $0x20;
	v3 =	vld [tilespmem:s12+$0xFFFFFFE0]  }
0x4d: {  	s10 =	simm.s32 $0x18A0;
	v4 =	vld [tilespmem:s9+$0x20]  }
0x4e: {  	v5 =	vld [tilespmem:s10+$0x20]  }
0x4f: {  	v6 =	vld [tilespmem:s10+$0xFFFFFFE0]  }
0x50: {  	v7 =	vld [tilespmem:s9+$0xFFFFFFF0]  }
0x51: {  	v8 =	vld [tilespmem:s10+$0xFFFFFFF0]  }
0x52: {  	v0 =	vlaneseq.u32;
	v9 =	vld [tilespmem:s9+$0x0]  }
0x53: {  	v0 =	vmul.u32 $0x401, v0;
	v13 =	vld [tilespmem:s12+$0xFFFFFFF0]  }
0x54: {  	v11 =	vld [tilespmem:s10+$0x0]  }
0x55: {  	v12 =	vld [tilespmem:s9+$0x10];
	v10 =	vadd.s32 v0, v2  }
0x56: {  	v15 =	vld [tilespmem:s9+$0xFFFFFFE0]  }
0x57: {  	v1 =	vadd.s32 $0x200, v0;
	v16 =	vld [tilespmem:s10+$0x10]  }
0x58: {  	v14 =	vadd.s32 v1, v2;
	v2 =	vmul.f32 v5, v4;
	v21 =	vadd.s32 v0, v13  }
0x59: {  	s11 =	simm.s32 $0x4980;
	v19 =	vld [tilespmem:s12+$0x0]  }
0x5a: {  	v17 =	vadd.s32 v0, v3;
	v18 =	vadd.s32 v1, v3;
	[tilespmem:v10+s11+$0x0] =	vst.idx.add.f32.msk $0xffff, v2  }
0x5b: {  	v3 =	vadd.f32 v5, v4;
	v20 =	vmul.f32 v8, v7;
	v2 =	vadd.f32 v8, v7;
	v8 =	vld [tilespmem:s12+$0x10]  }
0x5c: {  	v4 =	vadd.f32 v11, v9;
	v63 =	vadd.f32 v6, v15;
	v5 =	vmul.f32 v16, v12  }
0x5d: {  	v7 =	vmul.f32 v6, v15;
	v6 =	vadd.f32 v16, v12;
	[tilespmem:v21+s11+$0x0] =	vst.idx.add.f32.msk $0xffff, v20  }
0x5e: {  	v10 =	vadd.s32 v1, v13;
	[tilespmem:v14+s11+$0x0] =	vst.idx.add.f32.msk $0xffff, v3;
	v3 =	vmul.f32 v11, v9  }
0x5f: {  	v11 =	vadd.s32 v0, v19;
	v9 =	vadd.s32 v1, v19;
	[tilespmem:v17+s11+$0x0] =	vst.idx.add.f32.msk $0xffff, v7  }
0x60: {  	s13 =	simm.s32 $0x3170;
	s12 =	simm.s32 $0x0;
	[tilespmem:v18+s11+$0x0] =	vst.idx.add.f32.msk $0xffff, v63;
	v7 =	vadd.s32 v0, v8;
	v8 =	vadd.s32 v1, v8  }
.LBB2_3:
0x61: {  	v12 =	vld [tilespmem:s13+$0x20]  }
0x62: {  	s12 =	sadd.s32 $0x50, s12;
	s9 =	sadd.s32 $0x50, s9;
	v13 =	vld [tilespmem:s13+$0xFFFFFFE0]  }
0x63: {  	s10 =	sadd.s32 $0x50, s10;
	p1 =	slt.u32 s12, $0x1810;
	v14 =	vld [tilespmem:s9+$0x20]  }
0x64: {  	v15 =	vld [tilespmem:s10+$0x20]  }
0x65: {  	v16 =	vld [tilespmem:s10+$0xFFFFFFE0]  }
0x66: {  	v17 =	vld [tilespmem:s9+$0xFFFFFFF0];
	v18 =	vadd.s32 v0, v12  }
0x67: {  	v12 =	vadd.s32 v1, v12;
	v19 =	vadd.s32 v0, v13;
	v13 =	vadd.s32 v1, v13;
	v20 =	vld [tilespmem:s10+$0xFFFFFFF0]  }
0x68: {  	v21 =	vld [tilespmem:s9+$0x0]  }
0x69: {  	v22 =	vld [tilespmem:s10+$0x0];
	v23 =	vmul.f32 v15, v14  }
0x6a: {  	v14 =	vadd.f32 v15, v14;
	v24 =	vld [tilespmem:s9+$0x10]  }
0x6b: {  	[tilespmem:v18+s11+$0x0] =	vst.idx.add.f32.msk $0xffff, v23  }
0x6c: {  	v15 =	vmul.f32 v20, v17;
	v17 =	vadd.f32 v20, v17;
	[tilespmem:v12+s11+$0x0] =	vst.idx.add.f32.msk $0xffff, v14  }
0x6d: {  	v12 =	vld [tilespmem:s10+$0x10]  }
0x6e: {  	v14 =	vld [tilespmem:s9+$0xFFFFFFE0];
	v18 =	vmul.f32 v22, v21;
	v20 =	vadd.f32 v22, v21  }
0x6f: {  	v21 =	vld [tilespmem:s13+$0xFFFFFFF0]  }
0x70: {  	v22 =	vld [tilespmem:s13+$0x0]  }
0x71: {  	v23 =	vld [tilespmem:s13+$0x10]  }
0x72: {  	v25 =	vmul.f32 v12, v24;
	v12 =	vadd.f32 v12, v24;
	[tilespmem:v10+s11+$0x0] =	vst.idx.add.f32.msk $0xffff, v2;
	v2 =	vmov v17  }
0x73: {  	v17 =	vmul.f32 v16, v14;
	v14 =	vadd.f32 v16, v14;
	[tilespmem:v11+s11+$0x0] =	vst.idx.add.f32.msk $0xffff, v3;
	v3 =	vmov v18  }
0x74: {  	v16 =	vadd.s32 v0, v21;
	v10 =	vadd.s32 v1, v21;
	[tilespmem:v9+s11+$0x0] =	vst.idx.add.f32.msk $0xffff, v4;
	v4 =	vmov v20  }
.Ltmp1:
0x75: {  	[tilespmem:v19+s11+$0x0] =	vst.idx.add.f32.msk $0xffff, v17;
	v11 =	vadd.s32 v0, v22;
	v9 =	vadd.s32 v1, v22;
	(pc) =	sbr.rel @p1 .LBB2_3-.Ltmp1, $4  }
0x76: {  	[tilespmem:v13+s11+$0x0] =	vst.idx.add.f32.msk $0xffff, v14;
	v13 =	vadd.s32 v0, v23;
	v14 =	vadd.s32 v1, v23  }
0x77: {  	[tilespmem:v7+s11+$0x0] =	vst.idx.add.f32.msk $0xffff, v5;
	v5 =	vmov v25;
	v7 =	vmov v13  }
0x78: {  	[tilespmem:v8+s11+$0x0] =	vst.idx.add.f32.msk $0xffff, v6;
	v6 =	vmov v12;
	v8 =	vmov v14  }
0x79: {  	s13 =	sadd.s32 $0x50, s13;
	[tilespmem:v16+s11+$0x0] =	vst.idx.add.f32.msk $0xffff, v15  }
0x7a: {  	_ =	sdelay $0x3  }
0x7b: {  	[tilespmem:v10+s11+$0x0] =	vst.idx.add.f32.msk $0xffff, v2  }
0x7c: {  	[tilespmem:v11+s11+$0x0] =	vst.idx.add.f32.msk $0xffff, v3  }
0x7d: {  	[tilespmem:v7+s11+$0x0] =	vst.idx.add.f32.msk $0xffff, v5  }
0x7e: {  	[tilespmem:v9+s11+$0x0] =	vst.idx.add.f32.msk $0xffff, v4  }
0x7f: {  	[tilespmem:v8+s11+$0x0] =	vst.idx.add.f32.msk $0xffff, v6  }
0x80: {  	v0 =	vld @!p0 [tilespmem:$0x4960];
	_ =	sdelay $0x1  }
0x81: {  	v2 =	vlaneseq.u32 @!p0;
	v1 =	vld @!p0 [tilespmem:$0x1860]  }
0x82: {  	v2 =	vmul.u32 @!p0 $0x401, v2;
	v3 =	vld @!p0 [tilespmem:$0x30E0];
	_ =	sdelay $0x1  }
0x83: {  	v4 =	vadd.s32 @!p0 v2, v0;
	v2 =	vadd.s32 @!p0 $0x200, v2  }
0x84: {  	v0 =	vadd.s32 @!p0 v2, v0;
	_ =	sdelay $0x1  }
0x85: {  	v2 =	vmul.f32 @!p0 v3, v1  }
0x86: {  	s9 =	simm.s32 @!p0 $0x4980;
	v1 =	vadd.f32 @!p0 v3, v1  }
0x87: {  	[tilespmem:v4+s9+$0x0] =	vst.idx.add.f32.msk @!p0 $0xffff, v2  }
0x88: {  	s30 =	simm.s32 $0x6988;
	[tilespmem:v0+s9+$0x0] =	vst.idx.add.f32.msk @!p0 $0xffff, v1  }
0x89: {  	v0 =	vld [tilespmem:s30+$0xFFFFE008]  }
0x8a: {  	v1 =	vld [tilespmem:s30+$0xFFFFE409]  }
0x8b: {  	v2 =	vld [tilespmem:s30+$0xFFFFE3F9]  }
0x8c: {  	v3 =	vld [tilespmem:s30+$0xFFFFE80A]  }
0x8d: {  	v4 =	vld [tilespmem:s30+$0xFFFFDFF8]  }
0x8e: {  	v5 =	vld [tilespmem:s30+$0xFFFFEC0B]  }
0x8f: {  	v6 =	vld [tilespmem:s30+$0xFFFFE7FA]  }
0x90: {  	v7 =	vld [tilespmem:s30+$0xFFFFF00C]  }
0x91: {  	v8 =	vld [tilespmem:s30+$0xFFFFEBFB]  }
0x92: {  	v9 =	vld [tilespmem:s30+$0xFFFFF40D]  }
0x93: {  	v10 =	vld [tilespmem:s30+$0xFFFFEFFC]  }
0x94: {  	v11 =	vld [tilespmem:s30+$0xFFFFF80E]  }
0x95: {  	v12 =	vld [tilespmem:s30+$0xFFFFF3FD]  }
0x96: {  	v13 =	vld [tilespmem:s30+$0xFFFFFC0F]  }
0x97: {  	v14 =	vld [tilespmem:s30+$0xFFFFF7FE]  }
0x98: {  	v15 =	vld [tilespmem:s30+$0x10]  }
0x99: {  	v16 =	vld [tilespmem:s30+$0xFFFFFBFF]  }
0x9a: {  	v17 =	vld [tilespmem:s30+$0x411]  }
0x9b: {  	v18 =	vld [tilespmem:s30+$0x0]  }
0x9c: {  	v19 =	vld [tilespmem:s30+$0x812]  }
0x9d: {  	v20 =	vld [tilespmem:s30+$0x401]  }
0x9e: {  	v21 =	vld [tilespmem:s30+$0xC13]  }
0x9f: {  	v22 =	vld [tilespmem:s30+$0x802]  }
0xa0: {  	v23 =	vld [tilespmem:s30+$0x1014]  }
0xa1: {  	v24 =	vld [tilespmem:s30+$0xC03]  }
0xa2: {  	v25 =	vld [tilespmem:s30+$0x1415]  }
0xa3: {  	v26 =	vld [tilespmem:s30+$0x1004]  }
0xa4: {  	v27 =	vld [tilespmem:s30+$0x1816]  }
0xa5: {  	v28 =	vld [tilespmem:s30+$0x1405]  }
0xa6: {  	v29 =	vld [tilespmem:s30+$0x1C17]  }
0xa7: {  	v30 =	vld [tilespmem:s30+$0x1806]  }
0xa8: {  	s31 =	simm.s32 $0x69A8;
	v31 =	vld [tilespmem:s30+$0x1C07];
	v0 =	vadd.f32 v1, v0  }
0xa9: {  	v1 =	vadd.f32 v2, v4;
	v2 =	vld [tilespmem:s31+$0xFFFFE008]  }
0xaa: {  	v4 =	vld [tilespmem:s31+$0xFFFFE409];
	v0 =	vadd.f32 v3, v0  }
0xab: {  	v1 =	vadd.f32 v6, v1;
	v3 =	vld [tilespmem:s31+$0xFFFFE3F9]  }
0xac: {  	v6 =	vld [tilespmem:s31+$0xFFFFE80A];
	v0 =	vadd.f32 v5, v0  }
0xad: {  	v1 =	vadd.f32 v8, v1;
	v5 =	vld [tilespmem:s31+$0xFFFFDFF8]  }
0xae: {  	v8 =	vld [tilespmem:s31+$0xFFFFEC0B];
	v0 =	vadd.f32 v7, v0  }
0xaf: {  	v2 =	vadd.f32 v4, v2;
	v1 =	vadd.f32 v10, v1;
	v7 =	vld [tilespmem:s31+$0xFFFFE7FA]  }
0xb0: {  	v4 =	vld [tilespmem:s31+$0xFFFFF00C];
	v0 =	vadd.f32 v9, v0  }
0xb1: {  	v59 =	vld [tilespmem:s31+$0xFFFFEBFB];
	v2 =	vadd.f32 v6, v2;
	v1 =	vadd.f32 v12, v1  }
0xb2: {  	v3 =	vadd.f32 v3, v5;
	v5 =	vld [tilespmem:s31+$0xFFFFF40D];
	v0 =	vadd.f32 v11, v0  }
0xb3: {  	v6 =	vld [tilespmem:s31+$0xFFFFEFFC];
	v2 =	vadd.f32 v8, v2;
	v1 =	vadd.f32 v14, v1  }
0xb4: {  	v3 =	vadd.f32 v7, v3;
	v7 =	vld [tilespmem:s31+$0xFFFFF80E];
	v0 =	vadd.f32 v13, v0  }
0xb5: {  	v8 =	vld [tilespmem:s31+$0xFFFFF3FD];
	v2 =	vadd.f32 v4, v2;
	v1 =	vadd.f32 v16, v1  }
0xb6: {  	v4 =	vld [tilespmem:s31+$0xFFFFFC0F];
	v3 =	vadd.f32 v59, v3;
	v0 =	vadd.f32 v15, v0  }
0xb7: {  	v60 =	vld [tilespmem:s31+$0xFFFFF7FE];
	v1 =	vadd.f32 v18, v1;
	v2 =	vadd.f32 v5, v2  }
0xb8: {  	v5 =	vld [tilespmem:s31+$0x10];
	v3 =	vadd.f32 v6, v3;
	v0 =	vadd.f32 v17, v0  }
0xb9: {  	v6 =	vld [tilespmem:s31+$0xFFFFFBFF];
	v1 =	vadd.f32 v20, v1;
	v2 =	vadd.f32 v7, v2  }
0xba: {  	v7 =	vld [tilespmem:s31+$0x411];
	v3 =	vadd.f32 v8, v3;
	v0 =	vadd.f32 v19, v0  }
0xbb: {  	v8 =	vld [tilespmem:s31+$0x0];
	v1 =	vadd.f32 v22, v1;
	v2 =	vadd.f32 v4, v2  }
0xbc: {  	v4 =	vld [tilespmem:s31+$0x812];
	v3 =	vadd.f32 v60, v3;
	v0 =	vadd.f32 v21, v0  }
0xbd: {  	v61 =	vld [tilespmem:s31+$0x401];
	v1 =	vadd.f32 v24, v1;
	v2 =	vadd.f32 v5, v2  }
0xbe: {  	v5 =	vld [tilespmem:s31+$0xC13];
	v3 =	vadd.f32 v6, v3;
	v0 =	vadd.f32 v23, v0  }
0xbf: {  	v6 =	vld [tilespmem:s31+$0x802];
	v1 =	vadd.f32 v26, v1;
	v2 =	vadd.f32 v7, v2  }
0xc0: {  	v7 =	vld [tilespmem:s31+$0x1014];
	v3 =	vadd.f32 v8, v3;
	v0 =	vadd.f32 v25, v0  }
0xc1: {  	v8 =	vld [tilespmem:s31+$0xC03];
	v1 =	vadd.f32 v28, v1;
	v2 =	vadd.f32 v4, v2  }
0xc2: {  	v62 =	vld [tilespmem:s31+$0x1415];
	v3 =	vadd.f32 v61, v3;
	v4 =	vadd.f32 v27, v0  }
0xc3: {  	v63 =	vld [tilespmem:s31+$0x1004];
	v1 =	vadd.f32 v30, v1;
	v2 =	vadd.f32 v5, v2  }
0xc4: {  	v0 =	vld [tilespmem:s31+$0x1816];
	v3 =	vadd.f32 v6, v3;
	v4 =	vadd.f32 v29, v4  }
0xc5: {  	s9 =	simm.s32 $0x8A90;
	v5 =	vadd.f32 v31, v1;
	v1 =	vld [tilespmem:s31+$0x1405];
	v6 =	vadd.f32 v7, v2  }
0xc6: {  	v2 =	vld [tilespmem:s31+$0x1C17];
	v3 =	vadd.f32 v8, v3;
	[tilespmem:s9+$0x0] =	vst v4  }
0xc7: {  	v4 =	vld [tilespmem:s31+$0x1806];
	[tilespmem:s9+$0xFFFFFFF0] =	vst v5;
	v5 =	vadd.f32 v62, v6  }
0xc8: {  	s10 =	simm.s32 $0x20;
	s11 =	simm.s32 $0x69C8;
	v6 =	vadd.f32 v63, v3;
	v3 =	vld [tilespmem:s31+$0x1C07]  }
.LBB2_5:
0xc9: {  	v7 =	vld [tilespmem:s11+$0xFFFFE008];
	v0 =	vadd.f32 v0, v5  }
0xca: {  	s10 =	sadd.s32 $0x20, s10;
	v5 =	vld [tilespmem:s11+$0xFFFFE409];
	v1 =	vadd.f32 v1, v6  }
0xcb: {  	p0 =	slt.u32 s10, $0x3E0;
	v6 =	vld [tilespmem:s11+$0xFFFFE3F9];
	v0 =	vadd.f32 v2, v0  }
0xcc: {  	s9 =	sadd.s32 $0x20, s9;
	v2 =	vld [tilespmem:s11+$0xFFFFE80A];
	v1 =	vadd.f32 v4, v1  }
0xcd: {  	v4 =	vld [tilespmem:s11+$0xFFFFDFF8];
	[tilespmem:s9+$0x0] =	vst v0  }
0xce: {  	v0 =	vld [tilespmem:s11+$0xFFFFEC0B];
	v1 =	vadd.f32 v3, v1  }
0xcf: {  	v3 =	vld [tilespmem:s11+$0xFFFFE7FA];
	v5 =	vadd.f32 v5, v7  }
0xd0: {  	v7 =	vld [tilespmem:s11+$0xFFFFF00C];
	[tilespmem:s9+$0xFFFFFFF0] =	vst v1  }
0xd1: {  	v1 =	vld [tilespmem:s11+$0xFFFFEBFB];
	v2 =	vadd.f32 v2, v5  }
0xd2: {  	v4 =	vadd.f32 v6, v4;
	v5 =	vld [tilespmem:s11+$0xFFFFF40D]  }
0xd3: {  	v6 =	vld [tilespmem:s11+$0xFFFFEFFC];
	v0 =	vadd.f32 v0, v2  }
0xd4: {  	v2 =	vadd.f32 v3, v4;
	v3 =	vld [tilespmem:s11+$0xFFFFF80E]  }
0xd5: {  	v4 =	vld [tilespmem:s11+$0xFFFFF3FD];
	v0 =	vadd.f32 v7, v0  }
0xd6: {  	v1 =	vadd.f32 v1, v2;
	v2 =	vld [tilespmem:s11+$0xFFFFFC0F]  }
0xd7: {  	v7 =	vld [tilespmem:s11+$0xFFFFF7FE];
	v0 =	vadd.f32 v5, v0  }
0xd8: {  	v1 =	vadd.f32 v6, v1;
	v5 =	vld [tilespmem:s11+$0x10]  }
0xd9: {  	v6 =	vld [tilespmem:s11+$0xFFFFFBFF];
	v0 =	vadd.f32 v3, v0  }
0xda: {  	v1 =	vadd.f32 v4, v1;
	v3 =	vld [tilespmem:s11+$0x411]  }
0xdb: {  	v4 =	vld [tilespmem:s11+$0x0];
	v0 =	vadd.f32 v2, v0  }
0xdc: {  	v1 =	vadd.f32 v7, v1;
	v2 =	vld [tilespmem:s11+$0x812]  }
0xdd: {  	v7 =	vld [tilespmem:s11+$0x401];
	v0 =	vadd.f32 v5, v0  }
0xde: {  	v1 =	vadd.f32 v6, v1;
	v5 =	vld [tilespmem:s11+$0xC13]  }
0xdf: {  	v6 =	vld [tilespmem:s11+$0x802];
	v0 =	vadd.f32 v3, v0  }
0xe0: {  	v1 =	vadd.f32 v4, v1;
	v3 =	vld [tilespmem:s11+$0x1014]  }
0xe1: {  	v4 =	vld [tilespmem:s11+$0xC03];
	v0 =	vadd.f32 v2, v0  }
0xe2: {  	v1 =	vadd.f32 v7, v1;
	v7 =	vld [tilespmem:s11+$0x1415]  }
0xe3: {  	v8 =	vld [tilespmem:s11+$0x1004];
	v2 =	vadd.f32 v5, v0  }
.Ltmp2:
0xe4: {  	v5 =	vadd.f32 v6, v1;
	v0 =	vld [tilespmem:s11+$0x1816];
	(pc) =	sbr.rel @p0 .LBB2_5-.Ltmp2, $4  }
0xe5: {  	v1 =	vld [tilespmem:s11+$0x1405];
	v3 =	vadd.f32 v3, v2  }
0xe6: {  	v6 =	vadd.f32 v4, v5;
	v2 =	vld [tilespmem:s11+$0x1C17]  }
0xe7: {  	v4 =	vld [tilespmem:s11+$0x1806];
	v5 =	vadd.f32 v7, v3  }
0xe8: {  	v6 =	vadd.f32 v8, v6;
	v3 =	vld [tilespmem:s11+$0x1C07];
	s11 =	sadd.s32 $0x20, s11  }
0xe9: {  	_ = 	snop  }
0xea: {  	v1 =	vadd.f32 v1, v6  }
0xeb: {  	v0 =	vadd.f32 v0, v5  }
0xec: {  	v1 =	vadd.f32 v4, v1  }
0xed: {  	v0 =	vadd.f32 v2, v0  }
0xee: {  	s9 =	sadd.s32 $0x20, s9;
	v1 =	vadd.f32 v3, v1  }
0xef: {  	[tilespmem:s9+$0x0] =	vst v0  }
0xf0: {  	s10 =	simm.s32 $0x80;
	s11 =	simm.s32 $0x8A80;
	[tilespmem:s9+$0xFFFFFFF0] =	vst v1;
	s9 =	simm.s32 $0x400  }
0xf1: {  	[spmem:s8] =	stream.strided.scatter [tilespmem:s11], [sflag:$0x4], $0x400, s9, s10, $0x38;
	[tilespmem:$0x9D48] =	vst v63  }
0xf2: {  	p0 =	slt.u32 s0, $0x8;
	s8 =	simm.s32 $0x4  }
.Ltmp3:
0xf3: {  	_ =	swait.ge [sflag:s8], $0x400;
	(pc) =	sbr.rel @!p0 .LBB2_7-.Ltmp3, $3  }
0xf4: {  	[sflag:s8] =	ssyncset.done $0x0  }
0xf5: {  	[sflag:s8] =	ssyncadd.s32 $0xFFFFFC00  }
0xf6: {  	[bflag:$0x0] =	sbarrier.arrive $0xFFFF;
	_ =	sdelay $0x1  }
0xf7: {  	s10 =	simm.s32 $0x2000;
	s11 =	simm.s32 $0x8E80  }
0xf8: {  	[tilespmem:s11], [sflag:$0x4] =	stream.strided.gather [spmem:s7], $0x800, s10, s9, $0x38;
	[tilespmem:$0x9D48] =	vst v63  }
0xf9: {  	_ =	swait.ge [sflag:s8], $0x800  }
0xfa: {  	[sflag:s8] =	ssyncset.done $0x0  }
0xfb: {  	[sflag:s8] =	ssyncadd.s32 $0xFFFFF800  }
0xfc: {  	v0 =	vld [tilespmem:$0x8E80]  }
0xfd: {  	v1 =	vld [tilespmem:$0x8F00]  }
0xfe: {  	v2 =	vld [tilespmem:$0x8F80]  }
0xff: {  	v3 =	vld [tilespmem:$0x9000]  }
0x100: {  	v9 =	vld [tilespmem:$0x9080]  }
0x101: {  	v10 =	vld [tilespmem:$0x9100]  }
0x102: {  	v11 =	vld [tilespmem:$0x9180]  }
0x103: {  	v12 =	vld [tilespmem:$0x9200]  }
0x104: {  	v14 =	vld [tilespmem:$0x9280]  }
0x105: {  	v16 =	vld [tilespmem:$0x9300]  }
0x106: {  	v18 =	vld [tilespmem:$0x9380]  }
0x107: {  	v4 =	vld [tilespmem:$0x9400]  }
0x108: {  	v44 =	vld [tilespmem:$0x9480]  }
0x109: {  	v45 =	vld [tilespmem:$0x9500]  }
0x10a: {  	v46 =	vld [tilespmem:$0x9580]  }
0x10b: {  	v47 =	vld [tilespmem:$0x9600]  }
0x10c: {  	v5 =	vld [tilespmem:$0x8E90]  }
0x10d: {  	v7 =	vld [tilespmem:$0x8F10]  }
0x10e: {  	v19 =	vld [tilespmem:$0x8F90]  }
0x10f: {  	v20 =	vld [tilespmem:$0x9010]  }
0x110: {  	v21 =	vld [tilespmem:$0x9090]  }
0x111: {  	v22 =	vld [tilespmem:$0x9110]  }
0x112: {  	v23 =	vld [tilespmem:$0x9190]  }
0x113: {  	v24 =	vld [tilespmem:$0x9210]  }
0x114: {  	v25 =	vld [tilespmem:$0x9290]  }
0x115: {  	v26 =	vld [tilespmem:$0x9310]  }
0x116: {  	v27 =	vld [tilespmem:$0x9390]  }
0x117: {  	v28 =	vld [tilespmem:$0x9410]  }
0x118: {  	v29 =	vld [tilespmem:$0x9490]  }
0x119: {  	v31 =	vld [tilespmem:$0x9510]  }
0x11a: {  	v48 =	vld [tilespmem:$0x9590]  }
0x11b: {  	v49 =	vld [tilespmem:$0x9610]  }
0x11c: {  	v8 =	vld [tilespmem:$0x8EA0]  }
0x11d: {  	v33 =	vld [tilespmem:$0x8F20]  }
0x11e: {  	v34 =	vld [tilespmem:$0x8FA0]  }
0x11f: {  	v35 =	vld [tilespmem:$0x9020]  }
0x120: {  	v36 =	vld [tilespmem:$0x90A0]  }
0x121: {  	v37 =	vld [tilespmem:$0x9120]  }
0x122: {  	v38 =	vld [tilespmem:$0x91A0]  }
0x123: {  	v39 =	vld [tilespmem:$0x9220]  }
0x124: {  	v40 =	vld [tilespmem:$0x92A0]  }
0x125: {  	v41 =	vld [tilespmem:$0x9320]  }
0x126: {  	v42 =	vld [tilespmem:$0x93A0]  }
0x127: {  	v43 =	vld [tilespmem:$0x9420]  }
0x128: {  	v50 =	vld [tilespmem:$0x8FB0]  }
0x129: {  	v51 =	vld [tilespmem:$0x9030]  }
0x12a: {  	v52 =	vld [tilespmem:$0x90B0]  }
0x12b: {  	v53 =	vld [tilespmem:$0x9130]  }
0x12c: {  	v54 =	vld [tilespmem:$0x91B0]  }
0x12d: {  	v55 =	vld [tilespmem:$0x9230]  }
0x12e: {  	v56 =	vld [tilespmem:$0x92B0]  }
0x12f: {  	v57 =	vld [tilespmem:$0x9330]  }
0x130: {  	v58 =	vld [tilespmem:$0x93B0]  }
0x131: {  	v59 =	vld [tilespmem:$0x9430]  }
0x132: {  	v60 =	vld [tilespmem:$0x94B0]  }
0x133: {  	v61 =	vld [tilespmem:$0x9530]  }
0x134: {  	v62 =	vld [tilespmem:$0x95B0]  }
0x135: {  	v63 =	vld [tilespmem:$0x9630]  }
0x136: {  	v6 =	vld [tilespmem:$0x8EC0]  }
0x137: {  	v13 =	vld [tilespmem:$0x8FC0]  }
0x138: {  	v15 =	vld [tilespmem:$0x9040]  }
0x139: {  	v17 =	vld [tilespmem:$0x90C0]  }
0x13a: {  	v30 =	vld [tilespmem:$0x9140]  }
0x13b: {  	v32 =	vld [tilespmem:$0x91C0]  }
0x13c: {  	[tilespmem:$0x1FF90] =	vst v44;
	v44 =	vld [tilespmem:$0x94A0]  }
0x13d: {  	[tilespmem:$0x1FFA0] =	vst v45;
	v45 =	vld [tilespmem:$0x9520]  }
0x13e: {  	[tilespmem:$0x1FFB0] =	vst v46;
	v46 =	vld [tilespmem:$0x95A0]  }
0x13f: {  	[tilespmem:$0x1FFD0] =	vst v47;
	v47 =	vld [tilespmem:$0x9620]  }
0x140: {  	[tilespmem:$0x1FFC0] =	vst v48;
	v48 =	vld [tilespmem:$0x8EB0]  }
0x141: {  	[tilespmem:$0x1FFE0] =	vst v49;
	v49 =	vld [tilespmem:$0x8F30]  }
0x142: {  	[tilespmem:$0x1FF80] =	vst v4;
	v4 =	vld [tilespmem:$0x8F40]  }
0x143: {  	v0 =	vadd.f32 v1, v0;
	v1 =	vld [tilespmem:$0x9240]  }
0x144: {  	v5 =	vadd.f32 v7, v5;
	v7 =	vld [tilespmem:$0x92C0]  }
0x145: {  	[tilespmem:$0x1FFF0] =	vst v32;
	v32 =	vld [tilespmem:$0x9450]  }
0x146: {  	v0 =	vadd.f32 v2, v0;
	v2 =	vadd.f32 v33, v8;
	v8 =	vld [tilespmem:$0x9340]  }
0x147: {  	v33 =	vadd.f32 v19, v5;
	v19 =	vld [tilespmem:$0x93C0]  }
0x148: {  	v5 =	vld [tilespmem:$0x9440]  }
0x149: {  	v0 =	vadd.f32 v3, v0;
	v3 =	vld [tilespmem:$0x94C0]  }
0x14a: {  	v2 =	vadd.f32 v34, v2;
	v20 =	vadd.f32 v20, v33;
	v33 =	vld [tilespmem:$0x8F50]  }
0x14b: {  	v48 =	vadd.f32 v49, v48;
	v49 =	vld [tilespmem:$0x1FFC0]  }
0x14c: {  	v34 =	vadd.f32 v35, v2;
	v2 =	vld [tilespmem:$0x9540]  }
0x14d: {  	v0 =	vadd.f32 v9, v0;
	v9 =	vld [tilespmem:$0x95C0]  }
0x14e: {  	v35 =	vld [tilespmem:$0x9650]  }
0x14f: {  	v20 =	vadd.f32 v21, v20;
	v50 =	vadd.f32 v50, v48;
	v48 =	vld [tilespmem:$0x8F60]  }
0x150: {  	v10 =	vadd.f32 v10, v0;
	v0 =	vld [tilespmem:$0x9640]  }
0x151: {  	v4 =	vadd.f32 v4, v6;
	v20 =	vadd.f32 v22, v20;
	v22 =	vld [tilespmem:$0x8ED0]  }
0x152: {  	v36 =	vadd.f32 v36, v34;
	v34 =	vld [tilespmem:$0x9550]  }
0x153: {  	v4 =	vadd.f32 v13, v4;
	v51 =	vadd.f32 v51, v50;
	v50 =	vld [tilespmem:$0x8EF0]  }
0x154: {  	v20 =	vadd.f32 v23, v20;
	v23 =	vld [tilespmem:$0x8FD0]  }
0x155: {  	v4 =	vadd.f32 v15, v4;
	v37 =	vadd.f32 v37, v36;
	v36 =	vld [tilespmem:$0x91F0]  }
0x156: {  	v10 =	vadd.f32 v11, v10;
	v21 =	vadd.f32 v52, v51;
	v51 =	vld [tilespmem:$0x1FFD0]  }
0x157: {  	v52 =	vld [tilespmem:$0x8F70]  }
0x158: {  	v4 =	vadd.f32 v17, v4;
	v10 =	vadd.f32 v12, v10;
	v12 =	vld [tilespmem:$0x9050]  }
0x159: {  	v11 =	vadd.f32 v38, v37;
	v20 =	vadd.f32 v24, v20;
	v24 =	vld [tilespmem:$0x90D0]  }
0x15a: {  	v37 =	vld [tilespmem:$0x9260];
	v21 =	vadd.f32 v53, v21;
	v22 =	vadd.f32 v33, v22  }
0x15b: {  	v38 =	vld [tilespmem:$0x1FFF0];
	v4 =	vadd.f32 v30, v4;
	v10 =	vadd.f32 v14, v10  }
0x15c: {  	v53 =	vld [tilespmem:$0x1FFE0];
	v11 =	vadd.f32 v39, v11;
	v20 =	vadd.f32 v25, v20  }
0x15d: {  	v33 =	vld [tilespmem:$0x91E0];
	v21 =	vadd.f32 v54, v21;
	v22 =	vadd.f32 v23, v22  }
0x15e: {  	v14 =	vld [tilespmem:$0x9150];
	v10 =	vadd.f32 v16, v10;
	v11 =	vadd.f32 v40, v11  }
0x15f: {  	v25 =	vld [tilespmem:$0x91D0];
	v20 =	vadd.f32 v26, v20;
	v21 =	vadd.f32 v55, v21  }
0x160: {  	v39 =	vld [tilespmem:$0x9270];
	v12 =	vadd.f32 v12, v22;
	v4 =	vadd.f32 v38, v4  }
0x161: {  	v40 =	vld [tilespmem:$0x1FF80];
	v10 =	vadd.f32 v18, v10;
	v21 =	vadd.f32 v56, v21  }
0x162: {  	v54 =	vld [tilespmem:$0x8FE0];
	v11 =	vadd.f32 v41, v11;
	v20 =	vadd.f32 v27, v20  }
0x163: {  	v16 =	vld [tilespmem:$0x9250];
	v12 =	vadd.f32 v24, v12;
	v21 =	vadd.f32 v57, v21  }
0x164: {  	v41 =	vld [tilespmem:$0x1FF90];
	v1 =	vadd.f32 v1, v4;
	v11 =	vadd.f32 v42, v11  }
0x165: {  	v26 =	vld [tilespmem:$0x92D0];
	v20 =	vadd.f32 v28, v20;
	v21 =	vadd.f32 v58, v21  }
0x166: {  	v10 =	vadd.f32 v40, v10;
	v11 =	vadd.f32 v43, v11;
	v43 =	vld [tilespmem:$0x8EE0]  }
0x167: {  	v55 =	vld [tilespmem:$0x8FF0];
	v12 =	vadd.f32 v14, v12;
	v21 =	vadd.f32 v59, v21  }
0x168: {  	v18 =	vld [tilespmem:$0x9350];
	v1 =	vadd.f32 v7, v1;
	v20 =	vadd.f32 v29, v20  }
0x169: {  	v56 =	vld [tilespmem:$0x9060];
	v10 =	vadd.f32 v41, v10;
	v21 =	vadd.f32 v60, v21  }
0x16a: {  	v42 =	vld [tilespmem:$0x1FFA0];
	v12 =	vadd.f32 v25, v12;
	v1 =	vadd.f32 v8, v1  }
0x16b: {  	v58 =	vld [tilespmem:$0x9070];
	v57 =	vadd.f32 v48, v43;
	v21 =	vadd.f32 v61, v21  }
0x16c: {  	v11 =	vadd.f32 v44, v11;
	v59 =	vadd.f32 v52, v50;
	v60 =	vld [tilespmem:$0x90E0]  }
0x16d: {  	v13 =	vadd.f32 v54, v57;
	v61 =	vld [tilespmem:$0x90F0];
	v21 =	vadd.f32 v62, v21  }
0x16e: {  	v20 =	vadd.f32 v31, v20;
	v6 =	vadd.f32 v55, v59;
	v62 =	vld [tilespmem:$0x9160]  }
0x16f: {  	v13 =	vadd.f32 v56, v13;
	v21 =	vadd.f32 v63, v21;
	v63 =	vld [tilespmem:$0x9170]  }
0x170: {  	v27 =	vld [tilespmem:$0x93D0];
	v10 =	vadd.f32 v42, v10;
	v6 =	vadd.f32 v58, v6  }
0x171: {  	v28 =	vld [tilespmem:$0x94D0];
	v12 =	vadd.f32 v16, v12;
	v13 =	vadd.f32 v60, v13  }
0x172: {  	v44 =	vld [tilespmem:$0x1FFB0];
	v1 =	vadd.f32 v19, v1;
	v6 =	vadd.f32 v61, v6  }
0x173: {  	v40 =	vld [tilespmem:$0x92E0];
	v11 =	vadd.f32 v45, v11;
	v13 =	vadd.f32 v62, v13  }
0x174: {  	v29 =	vld [tilespmem:$0x95D0];
	v20 =	vadd.f32 v49, v20;
	v6 =	vadd.f32 v63, v6  }
0x175: {  	v42 =	vld [tilespmem:$0x92F0];
	v12 =	vadd.f32 v26, v12;
	v41 =	vadd.f32 v33, v13  }
0x176: {  	v43 =	vld [tilespmem:$0x9360];
	v1 =	vadd.f32 v5, v1;
	v6 =	vadd.f32 v36, v6  }
0x177: {  	v10 =	vadd.f32 v44, v10;
	v44 =	vld [tilespmem:$0x9370];
	v4 =	vadd.f32 v37, v41  }
0x178: {  	v45 =	vld [tilespmem:$0x93E0];
	v11 =	vadd.f32 v46, v11;
	v6 =	vadd.f32 v39, v6  }
0x179: {  	v46 =	vld [tilespmem:$0x93F0];
	v12 =	vadd.f32 v18, v12;
	v4 =	vadd.f32 v40, v4  }
0x17a: {  	v11 =	vadd.f32 v47, v11;
	v47 =	vld [tilespmem:$0x9460];
	v6 =	vadd.f32 v42, v6  }
0x17b: {  	v48 =	vld [tilespmem:$0x9470];
	v20 =	vadd.f32 v53, v20;
	v4 =	vadd.f32 v43, v4  }
0x17c: {  	v49 =	vld [tilespmem:$0x94E0];
	v12 =	vadd.f32 v27, v12;
	v6 =	vadd.f32 v44, v6  }
0x17d: {  	v50 =	vld [tilespmem:$0x94F0];
	v10 =	vadd.f32 v51, v10;
	v4 =	vadd.f32 v45, v4  }
0x17e: {  	v51 =	vld [tilespmem:$0x9560];
	v12 =	vadd.f32 v32, v12;
	v6 =	vadd.f32 v46, v6  }
0x17f: {  	v53 =	vld [tilespmem:$0x9570];
	v1 =	vadd.f32 v3, v1;
	v52 =	vadd.f32 v47, v4  }
0x180: {  	v54 =	vld [tilespmem:$0x95E0];
	v12 =	vadd.f32 v28, v12;
	v6 =	vadd.f32 v48, v6  }
0x181: {  	v1 =	vadd.f32 v2, v1;
	v56 =	vld [tilespmem:$0x95F0];
	v55 =	vadd.f32 v49, v52  }
0x182: {  	v58 =	vld [tilespmem:$0x9660];
	v57 =	vadd.f32 v34, v12;
	v5 =	vadd.f32 v50, v6  }
0x183: {  	v59 =	vld [tilespmem:$0x9670];
	[tilespmem:$0x9690] =	vst v20;
	v1 =	vadd.f32 v9, v1;
	v2 =	vadd.f32 v51, v55  }
0x184: {  	[tilespmem:$0x96A0] =	vst v11;
	v7 =	vadd.f32 v29, v57;
	v4 =	vadd.f32 v53, v5  }
0x185: {  	[tilespmem:$0x9680] =	vst v10;
	v0 =	vadd.f32 v0, v1;
	v60 =	vadd.f32 v54, v2  }
0x186: {  	[tilespmem:$0x96B0] =	vst v21;
	v61 =	vadd.f32 v35, v7;
	v3 =	vadd.f32 v56, v4  }
0x187: {  	[tilespmem:$0x96C0] =	vst v0;
	v62 =	vadd.f32 v58, v60  }
0x188: {  	[tilespmem:$0x96D0] =	vst v61;
	v63 =	vadd.f32 v59, v3  }
0x189: {  	[tilespmem:$0x96E0] =	vst v62  }
0x18a: {  	s31 =	simm.s32 $0x9680;
	p0 =	slt.u32 s0, $0x4;
	[tilespmem:$0x96F0] =	vst v63  }
0x18b: {  	[spmem:s6] =	stream.linear.scatter [tilespmem:s31], [sflag:$0x4], $0x80, $0x38;
	[tilespmem:$0x9D48] =	vst v63  }
.Ltmp4:
0x18c: {  	_ =	swait.ge [sflag:s8], $0x80;
	(pc) =	sbr.rel @!p0 .LBB2_9-.Ltmp4, $3  }
0x18d: {  	[sflag:s8] =	ssyncset.done $0x0  }
0x18e: {  	[sflag:s8] =	ssyncadd.s32 $0xFFFFFF80  }
0x18f: {  	[bflag:$0x0] =	sbarrier.arrive $0xFFFF;
	_ =	sdelay $0x1  }
0x190: {  	s7 =	simm.s32 $0x9700  }
0x191: {  	[tilespmem:s7], [sflag:$0x4] =	stream.linear.gather [spmem:s6], $0x80, $0x38;
	[tilespmem:$0x9D48] =	vst v63  }
0x192: {  	s6 =	simm.s32 $0x4  }
0x193: {  	_ =	swait.ge [sflag:s6], $0x80  }
0x194: {  	[sflag:s6] =	ssyncset.done $0x0  }
0x195: {  	s31 =	simm.s32 $0x9780;
	[sflag:s6] =	ssyncadd.s32 $0xFFFFFF80  }
0x196: {  	[tilespmem:s31], [sflag:$0x4] =	stream.linear.gather [spmem:s5], $0x80, $0x38;
	[tilespmem:$0x9D48] =	vst v63  }
0x197: {  	_ =	swait.ge [sflag:s6], $0x80  }
0x198: {  	[sflag:s6] =	ssyncset.done $0x0  }
0x199: {  	[sflag:s6] =	ssyncadd.s32 $0xFFFFFF80  }
0x19a: {  	v0 =	vld [tilespmem:$0x9780];
	_ =	sdelay $0x1  }
0x19b: {  	v1 =	vld [tilespmem:$0x9790];
	_ =	sdelay $0x1  }
0x19c: {  	v2 =	vld [tilespmem:$0x97A0]  }
0x19d: {  	v0 =	vadd.f32 $1.000000000e+00, v0  }
0x19e: {  	v32 =	vld [tilespmem:$0x97B0]  }
0x19f: {  	v3 =	vld [tilespmem:$0x9700];
	v1 =	vadd.f32 $1.000000000e+00, v1;
	(erf) = vrcp.f32 v0  }
0x1a0: {  	v4 =	vld [tilespmem:$0x9710]  }
0x1a1: {  	v33 =	vld [tilespmem:$0x97C0];
	v2 =	vadd.f32 $1.000000000e+00, v2;
	(erf) = vrcp.f32 v1  }
0x1a2: {  	v5 =	vld [tilespmem:$0x9720]  }
0x1a3: {  	v34 =	vld [tilespmem:$0x97D0];
	v0 =	vadd.f32 $1.000000000e+00, v32;
	(erf) = vrcp.f32 v2  }
0x1a4: {  	v6 =	vld [tilespmem:$0x9730]  }
0x1a5: {  	v36 =	vld [tilespmem:$0x97E0];
	(erf) = vrcp.f32 v0  }
0x1a6: {  	v37 =	vld [tilespmem:$0x97F0];
	v3 =	vadd.f32 v3, v3;
	v35 =	vadd.f32 $1.000000000e+00, v33  }
0x1a7: {  	v4 =	vadd.f32 v4, v4;
	v5 =	vadd.f32 v5, v5  }
0x1a8: {  	v8 =	vld [tilespmem:$0x9740];
	v3 =	vadd.f32 $1.000000000e+00, v3;
	v2 =	vadd.f32 $1.000000000e+00, v34;
	v7 =	vpop (erf);
	(erf) = vrcp.f32 v35  }
0x1a9: {  	v40 =	vadd.f32 v6, v6;
	v4 =	vadd.f32 $1.000000000e+00, v4  }
0x1aa: {  	v41 =	vld [tilespmem:$0x9750];
	v1 =	vadd.f32 $1.000000000e+00, v36;
	v3 =	vmul.f32 v7, v3;
	v38 =	vpop (erf);
	(erf) = vrcp.f32 v2  }
0x1ab: {  	v39 =	vadd.f32 $1.000000000e+00, v5;
	v0 =	vadd.f32 $1.000000000e+00, v37  }
0x1ac: {  	v46 =	vld [tilespmem:$0x9760];
	v4 =	vmul.f32 v38, v4;
	v42 =	vpop (erf);
	(erf) = vrcp.f32 v1;
	v3 =	vadd.f32 $0.0e+00, v3  }
0x1ad: {  	v45 =	vadd.f32 v8, v8;
	v44 =	vadd.f32 $1.000000000e+00, v40  }
0x1ae: {  	v43 =	vmul.f32 v42, v39;
	v47 =	vpop (erf);
	(erf) = vrcp.f32 v0;
	v3 =	vadd.f32 v4, v3  }
0x1af: {  	v51 =	vld [tilespmem:$0x9770];
	v6 =	vadd.f32 v41, v41  }
0x1b0: {  	v50 =	vadd.f32 $1.000000000e+00, v45;
	v49 =	vmul.f32 v47, v44;
	v48 =	vadd.f32 v43, v3  }
0x1b1: {  	v55 =	vadd.f32 v46, v46;
	v52 =	vpop (erf)  }
0x1b2: {  	v54 =	vadd.f32 $1.000000000e+00, v6;
	v0 =	vadd.f32 v49, v48;
	v53 =	vmul.f32 v52, v50  }
0x1b3: {  	v58 =	vadd.f32 $1.000000000e+00, v55;
	v56 =	vpop (erf)  }
0x1b4: {  	v3 =	vadd.f32 v51, v51;
	v57 =	vmul.f32 v56, v54;
	v0 =	vadd.f32 v53, v0  }
0x1b5: {  	v59 =	vpop (erf)  }
0x1b6: {  	v61 =	vadd.f32 $1.000000000e+00, v3;
	v60 =	vmul.f32 v59, v58;
	v0 =	vadd.f32 v57, v0  }
0x1b7: {  	v62 =	vpop (erf)  }
0x1b8: {  	v63 =	vmul.f32 v62, v61;
	v0 =	vadd.f32 v60, v0;
	_ =	sdelay $0x1  }
0x1b9: {  	v0 =	vadd.f32 v63, v0;
	_ =	sdelay $0x1  }
0x1ba: {  	s5 =	simm.s32 $0x9880;
	[tilespmem:$0x9880] =	vst v0  }
0x1bb: {  	[spmem:s4] =	stream.linear.scatter [tilespmem:s5], [sflag:$0x4], $0x10, $0x38;
	[tilespmem:$0x9D48] =	vst v63  }
0x1bc: {  	_ =	swait.ge [sflag:s6], $0x10  }
0x1bd: {  	[sflag:s6] =	ssyncset.done $0x0  }
0x1be: {  	[sflag:s6] =	ssyncadd.s32 $0xFFFFFFF0  }
0x1bf: {  	p0 =	sne.s32 s0, $0x0;
	[bflag:$0x0] =	sbarrier.arrive $0xFFFF  }
0x1c0: {  	_ =	sfence.sel @p0 $0x180000  }
0x1c1: {  	[bflag:$0x0] =	sbarrier.arrive @p0 $0xFFFF  }
0x1c2: {  	_ =	strace @p0 $0x90000047  }
0x1c3: {  	[bflag:$0x2] =	sbarrier.arrive @p0 $0xFFFF  }
0x1c4: {  	_ =	shalt @p0  }
.LBB2_11:
0x1c5: {  	s4 =	simm.s32 $0x9800  }
0x1c6: {  	[tilespmem:s4], [sflag:$0x4] =	stream.linear.gather [spmem:s3], $0x80, $0x38;
	[tilespmem:$0x9D48] =	vst v63  }
0x1c7: {  	_ =	swait.ge [sflag:s6], $0x80  }
0x1c8: {  	[sflag:s6] =	ssyncset.done $0x0  }
0x1c9: {  	[sflag:s6] =	ssyncadd.s32 $0xFFFFFF80  }
0x1ca: {  	v0 =	vld [tilespmem:$0x9800]  }
0x1cb: {  	v1 =	vld [tilespmem:$0x9810];
	_ =	sdelay $0x1  }
0x1cc: {  	v2 =	vld [tilespmem:$0x9820];
	_ =	sdelay $0x1  }
0x1cd: {  	v3 =	vld [tilespmem:$0x9830]  }
0x1ce: {  	v0 =	vadd.f32 v1, v0;
	_ =	sdelay $0x1  }
0x1cf: {  	v0 =	vadd.f32 v2, v0;
	_ =	sdelay $0x1  }
0x1d0: {  	v0 =	vadd.f32 v3, v0;
	_ =	sdelay $0x1  }
0x1d1: {  	(xrf2) =	vadd.scan.msk.f32 $0xffff, v0;
	_ =	sdelay $0x9  }
0x1d2: {  	v0, _, _ =	vpop (xrf2)  }
0x1d3: {  	(v2sf) =	vpush v0, $0xF;
	_ =	sdelay $0xe  }
0x1d4: {  	s30 =	spop (v2sf)  }
0x1d5: {  	s3 =	ssub.f32 $5.120000000e+02, s30;
	_ =	sdelay $0x1  }
0x1d6: {  	v63 =	vmov s3  }
.Ltmp5:
0x1d7: {  	s31 =	simm.s32 $0x0;
	[tilespmem:$0x9880] =	vst v63;
	(pc) =	sbr.rel .LBB2_12-.Ltmp5, $4  }
0x1d8: {  	[hbm4b:s2+s31] =	stream.linear.scatter [tilespmem:s5], [sflag:$0x4], $0x80, $0x38;
	[tilespmem:$0x9D48] =	vst v63  }
0x1d9: {  	_ =	swait.ge [sflag:s6], $0x80  }
0x1da: {  	[sflag:s6] =	ssyncset.done $0x0  }
0x1db: {  	[sflag:s6] =	ssyncadd.s32 $0xFFFFFF80  }
.LBB2_7:
.Ltmp6:
0x1dc: {  	(pc) =	sbr.rel .LBB2_12-.Ltmp6, $3  }
0x1dd: {  	_ = 	snop  }
0x1de: {  	[bflag:$0x0] =	sbarrier.arrive $0xFFFF  }
0x1df: {  	[bflag:$0x0] =	sbarrier.arrive $0xFFFF;
	_ =	sdelay $0x1  }
.LBB2_9:
0x1e0: {  	[bflag:$0x0] =	sbarrier.arrive $0xFFFF  }
.LBB2_12:
0x1e1: {  	_ =	sfence.sel $0x180000  }
0x1e2: {  	[bflag:$0x0] =	sbarrier.arrive $0xFFFF  }
0x1e3: {  	p0 =	sne.s32 s0, $0x0;
	_ =	strace $0x90000047  }
0x1e4: {  	s0 =	sadd.s32 @!p0 $0x100000, s1;
	[bflag:$0x2] =	sbarrier.arrive $0xFFFF  }
0x1e5: {  	[sflag:s0] =	ssyncadd.tile.s32 @!p0 $0x1;
	_ =	shalt  }
.Lfunc_end2:
_tile_overlayer_lowered:
.L_overlay_start_2:
0x1e6: {  	(tag) =	ssettag $0x2  }
0x1e7: {  	s0 =	rddreg [dreg:$0x0];
	s2 =	stileid.u32  }
0x1e8: {  	s1 =	rddreg [dreg:$0x1];
	p0 =	sne.s32 s2, $0x0  }
0x1e9: {  	s3 =	rddreg [dreg:$0x2];
	[bflag:$0x3] =	sbarrier.arrive $0xFFFF;
	s2 =	simm.s32 @!p0 $0x1C04  }
0x1ea: {  	[timem:s3], [sflag:s2] =	dma.local @!p0 [hbm:s0], s1  }
0x1eb: {  	s0 =	simm.s32 @!p0 $0x4  }
0x1ec: {  	_ =	swait.ge @!p0 [sflag:s0], s1  }
0x1ed: {  	s1 =	ssub.s32 @!p0 $0x0, s1;
	[sflag:s0] =	ssyncset.done @!p0 $0x0  }
0x1ee: {  	[sflag:s0] =	ssyncadd.s32 @!p0 s1  }
0x1ef: {  	[bflag:$0x3] =	sbarrier.arrive $0xFFFF  }
0x1f0: {  	_ =	shalt  }

</sc_bundles>
